<compile_context>
chip_gen: v7x
topology: tpu7x:2x2x1
jax: 0.10.2.dev20260603
libtpu: 0.0.44.dev20260713+nightly
codegen_flags: <defaults>
</compile_context>

<pallas_src>
import functools

import jax
import jax.numpy as jnp
from jax import lax
from jax.experimental import pallas as pl
from jax.experimental.pallas import tpu as pltpu
from jax.experimental.pallas import tpu_sc as plsc

B = 16384
D = 256
L = 16
NC = 2
NS = 16
NW = NC * NS
BPW = B // NW
Q = 2
NQ = BPW // Q
NPAT = 1 << Q

_mesh = plsc.VectorSubcoreMesh(core_axis_name="c", subcore_axis_name="s")


@functools.partial(
    pl.kernel,
    mesh=_mesh,
    out_type=jax.ShapeDtypeStruct((B, D), jnp.float32),
    scratch_types=[
        pltpu.VMEM((BPW + L,), jnp.int32),
        pltpu.VMEM((2, D), jnp.float32),
        pltpu.VMEM((NPAT * Q, D), jnp.float32),
        pltpu.SemaphoreType.DMA,
    ],
)
def _lookup(idx_hbm, table_hbm, out_hbm, idx_v, table_v, pat_v, sem):
    wid = lax.axis_index("s") * NC + lax.axis_index("c")
    base = wid * BPW
    pltpu.sync_copy(table_hbm, table_v)
    pltpu.sync_copy(idx_hbm.at[wid], idx_v.at[pl.ds(0, BPW)])
    w0 = [table_v[0, pl.ds(c * L, L)] for c in range(D // L)]
    w1 = [table_v[1, pl.ds(c * L, L)] for c in range(D // L)]

    def build(k, carry):
        h = k & (Q - 1)
        p = k // Q
        bit = lax.shift_right_logical(p, (Q - 1) - h) & 1
        take1 = bit != 0
        for c in range(D // L):
            pat_v[k, pl.ds(c * L, L)] = jnp.where(take1, w1[c], w0[c])
        return carry
    lax.fori_loop(0, NPAT * Q, build, 0)

    def grp(g, carry):
        v = idx_v[pl.ds(L * g, L)]
        for j in range(L // Q):
            q = v[Q * j]
            for t in range(1, Q):
                q = q * 2 + v[Q * j + t]
            pltpu.async_copy(
                pat_v.at[pl.ds(Q * q, Q)],
                out_hbm.at[pl.ds(base + L * g + Q * j, Q)],
                sem)
        return carry
    lax.fori_loop(0, BPW // L, grp, 0)

    my_out = out_hbm.at[pl.ds(base, BPW)]
    pltpu.make_async_copy(my_out, my_out, sem).wait()


def kernel(harmful, emb_weight):
    idx = jnp.reshape(harmful.astype(jnp.int32), (NW, BPW))
    return _lookup(idx, emb_weight)

# --- scband reference (transcript-rebuilt; emitter-appended) ---
"""Pipeline reference for scband-perception-pure-harmful-69252052680795 (READ-ONLY COPY).

The authoritative reference and input builder live on the scoring server;
editing this copy changes nothing except your own understanding.
"""

import jax, jax.numpy as jnp
import numpy as np


def setup_inputs(seed: int = 0) -> dict:
    key = jax.random.key(seed)
    k1, k2 = jax.random.split(key)
    harmful = jax.random.randint(k1, (16384, 1), 0, 2, dtype=jnp.int64)
    # nn.Embedding(2, 256) weight ~ N(0,1)
    emb_weight = jax.random.normal(k2, (2, 256), dtype=jnp.float32)
    return {"harmful": harmful, "emb_weight": emb_weight}


def reference(harmful, emb_weight):
    idx = jnp.squeeze(harmful.astype(jnp.int32), axis=-1)
    x = jnp.take(emb_weight, idx, axis=0)
    return x

if __name__ == "__main__":
    import jax
    _d = setup_inputs()
    print(jax.jit(kernel)(*tuple(_d.values())))

</pallas_src>

<mosaic_0001>
#map = affine_map<(d0, d1) -> (0, 0)>
module attributes {stable_mosaic.version = 14 : i64} {
  func.func @_lookup(%arg0: i32, %arg1: i32, %arg2: memref<32x512xi32, #tpu.memory_space<hbm>>, %arg3: memref<2x256xf32, #tpu.memory_space<hbm>>, %arg4: memref<16384x256xf32, #tpu.memory_space<hbm>>, %arg5: memref<528xi32, #tpu.memory_space<vmem>>, %arg6: memref<2x256xf32, #tpu.memory_space<vmem>>, %arg7: memref<8x256xf32, #tpu.memory_space<vmem>>, %arg8: memref<!tpu.dma_semaphore, #tpu.memory_space<semaphore_mem>>) attributes {dimension_semantics = [#tpu.dimension_semantics<core_parallel>, #tpu.dimension_semantics<subcore_parallel>], iteration_bounds = array<i64: 2, 16>, scalar_prefetch = 0 : i64, scratch_operands = 4 : i64, tpu.core_type = #tpu.core_type<sc_vector_subcore>, window_params = [{transform_indices = #map}, {transform_indices = #map}, {transform_indices = #map}]} {
    %mul3A = arith.constant 2 : i32
    %mul3A_0 = arith.muli %arg1, %mul3A : i32
    %add3A = arith.addi %mul3A_0, %arg0 : i32
    %mul3A_1 = arith.constant 512 : i32
    %mul3A_2 = arith.muli %add3A, %mul3A_1 : i32
    "tpu.region"() ({
      %run_scoped3A = tpu.sem_alloc : memref<!tpu.dma_semaphore, #tpu.memory_space<semaphore_mem>>
      tpu.enqueue_dma source(%arg3 : memref<2x256xf32, #tpu.memory_space<hbm>>) target(%arg6 : memref<2x256xf32, #tpu.memory_space<vmem>>) target_semaphore(%run_scoped3A : memref<!tpu.dma_semaphore, #tpu.memory_space<semaphore_mem>>)
      tpu.wait_dma2 semaphore(%run_scoped3A : memref<!tpu.dma_semaphore, #tpu.memory_space<semaphore_mem>>) src(%arg3 : memref<2x256xf32, #tpu.memory_space<hbm>>) dst(%arg6 : memref<2x256xf32, #tpu.memory_space<vmem>>)
      tpu.yield
    }) : () -> ()
    "tpu.region"() ({
      %run_scoped3A = tpu.sem_alloc : memref<!tpu.dma_semaphore, #tpu.memory_space<semaphore_mem>>
      %dma_start3A = arith.constant 0 : i32
      %dma_start3A_176 = tpu.memref_slice %arg5[%dma_start3A] : memref<528xi32, #tpu.memory_space<vmem>> -> memref<512xi32, #tpu.memory_space<vmem>>
      %dma_start3A_177 = arith.constant 0 : i32
      %dma_start3A_178 = tpu.memref_slice %arg2[%add3A, %dma_start3A_177] : memref<32x512xi32, #tpu.memory_space<hbm>> -> memref<1x512xi32, #tpu.memory_space<hbm>>
      %dma_start3A_179 = tpu.memref_squeeze %dma_start3A_178 : memref<1x512xi32, #tpu.memory_space<hbm>> -> memref<512xi32, #tpu.memory_space<hbm>>
      %dma_start3A_180 = arith.constant 0 : i32
      %dma_start3A_181 = tpu.memref_slice %arg5[%dma_start3A_180] : memref<528xi32, #tpu.memory_space<vmem>> -> memref<512xi32, #tpu.memory_space<vmem>>
      %dma_start3A_182 = arith.constant 0 : i32
      %dma_start3A_183 = tpu.memref_slice %arg2[%add3A, %dma_start3A_182] : memref<32x512xi32, #tpu.memory_space<hbm>> -> memref<1x512xi32, #tpu.memory_space<hbm>>
      %dma_start3A_184 = tpu.memref_squeeze %dma_start3A_183 : memref<1x512xi32, #tpu.memory_space<hbm>> -> memref<512xi32, #tpu.memory_space<hbm>>
      tpu.enqueue_dma source(%dma_start3A_184 : memref<512xi32, #tpu.memory_space<hbm>>) target(%dma_start3A_181 : memref<512xi32, #tpu.memory_space<vmem>>) target_semaphore(%run_scoped3A : memref<!tpu.dma_semaphore, #tpu.memory_space<semaphore_mem>>)
      %dma_wait3A_185 = arith.constant 0 : i32
      %dma_wait3A_186 = tpu.memref_slice %arg5[%dma_wait3A_185] : memref<528xi32, #tpu.memory_space<vmem>> -> memref<512xi32, #tpu.memory_space<vmem>>
      %dma_wait3A_187 = arith.constant 0 : i32
      %dma_wait3A_188 = tpu.memref_slice %arg2[%add3A, %dma_wait3A_187] : memref<32x512xi32, #tpu.memory_space<hbm>> -> memref<1x512xi32, #tpu.memory_space<hbm>>
      %dma_wait3A_189 = tpu.memref_squeeze %dma_wait3A_188 : memref<1x512xi32, #tpu.memory_space<hbm>> -> memref<512xi32, #tpu.memory_space<hbm>>
      %dma_wait3A_190 = arith.constant 0 : i32
      %dma_wait3A_191 = tpu.memref_slice %arg5[%dma_wait3A_190] : memref<528xi32, #tpu.memory_space<vmem>> -> memref<512xi32, #tpu.memory_space<vmem>>
      %dma_wait3A_192 = arith.constant 0 : i32
      %dma_wait3A_193 = tpu.memref_slice %arg2[%add3A, %dma_wait3A_192] : memref<32x512xi32, #tpu.memory_space<hbm>> -> memref<1x512xi32, #tpu.memory_space<hbm>>
      %dma_wait3A_194 = tpu.memref_squeeze %dma_wait3A_193 : memref<1x512xi32, #tpu.memory_space<hbm>> -> memref<512xi32, #tpu.memory_space<hbm>>
      tpu.wait_dma2 semaphore(%run_scoped3A : memref<!tpu.dma_semaphore, #tpu.memory_space<semaphore_mem>>) src(%dma_wait3A_194 : memref<512xi32, #tpu.memory_space<hbm>>) dst(%dma_wait3A_191 : memref<512xi32, #tpu.memory_space<vmem>>)
      tpu.yield
    }) : () -> ()
    %get3A = arith.constant 0 : i32
    %get3A_3 = arith.index_cast %get3A : i32 to index
    %get3A_4 = arith.constant 0 : index
    %get3A_5 = tpu.vector_load %arg6[%get3A_3, %get3A_4] {strides = array<i32>} : memref<2x256xf32, #tpu.memory_space<vmem>>, vector<1x16xf32>,
    %get3A_6 = vector.shape_cast %get3A_5 : vector<1x16xf32> to vector<16xf32>
    %get3A_7 = arith.constant 0 : i32
    %get3A_8 = arith.index_cast %get3A_7 : i32 to index
    %get3A_9 = arith.constant 16 : index
    %get3A_10 = tpu.vector_load %arg6[%get3A_8, %get3A_9] {strides = array<i32>} : memref<2x256xf32, #tpu.memory_space<vmem>>, vector<1x16xf32>,
    %get3A_11 = vector.shape_cast %get3A_10 : vector<1x16xf32> to vector<16xf32>
    %get3A_12 = arith.constant 0 : i32
    %get3A_13 = arith.index_cast %get3A_12 : i32 to index
    %get3A_14 = arith.constant 32 : index
    %get3A_15 = tpu.vector_load %arg6[%get3A_13, %get3A_14] {strides = array<i32>} : memref<2x256xf32, #tpu.memory_space<vmem>>, vector<1x16xf32>,
    %get3A_16 = vector.shape_cast %get3A_15 : vector<1x16xf32> to vector<16xf32>
    %get3A_17 = arith.constant 0 : i32
    %get3A_18 = arith.index_cast %get3A_17 : i32 to index
    %get3A_19 = arith.constant 48 : index
    %get3A_20 = tpu.vector_load %arg6[%get3A_18, %get3A_19] {strides = array<i32>} : memref<2x256xf32, #tpu.memory_space<vmem>>, vector<1x16xf32>,
    %get3A_21 = vector.shape_cast %get3A_20 : vector<1x16xf32> to vector<16xf32>
    %get3A_22 = arith.constant 0 : i32
    %get3A_23 = arith.index_cast %get3A_22 : i32 to index
    %get3A_24 = arith.constant 64 : index
    %get3A_25 = tpu.vector_load %arg6[%get3A_23, %get3A_24] {strides = array<i32>} : memref<2x256xf32, #tpu.memory_space<vmem>>, vector<1x16xf32>,
    %get3A_26 = vector.shape_cast %get3A_25 : vector<1x16xf32> to vector<16xf32>
    %get3A_27 = arith.constant 0 : i32
    %get3A_28 = arith.index_cast %get3A_27 : i32 to index
    %get3A_29 = arith.constant 80 : index
    %get3A_30 = tpu.vector_load %arg6[%get3A_28, %get3A_29] {strides = array<i32>} : memref<2x256xf32, #tpu.memory_space<vmem>>, vector<1x16xf32>,
    %get3A_31 = vector.shape_cast %get3A_30 : vector<1x16xf32> to vector<16xf32>
    %get3A_32 = arith.constant 0 : i32
    %get3A_33 = arith.index_cast %get3A_32 : i32 to index
    %get3A_34 = arith.constant 96 : index
    %get3A_35 = tpu.vector_load %arg6[%get3A_33, %get3A_34] {strides = array<i32>} : memref<2x256xf32, #tpu.memory_space<vmem>>, vector<1x16xf32>,
    %get3A_36 = vector.shape_cast %get3A_35 : vector<1x16xf32> to vector<16xf32>
    %get3A_37 = arith.constant 0 : i32
    %get3A_38 = arith.index_cast %get3A_37 : i32 to index
    %get3A_39 = arith.constant 112 : index
    %get3A_40 = tpu.vector_load %arg6[%get3A_38, %get3A_39] {strides = array<i32>} : memref<2x256xf32, #tpu.memory_space<vmem>>, vector<1x16xf32>,
    %get3A_41 = vector.shape_cast %get3A_40 : vector<1x16xf32> to vector<16xf32>
    %get3A_42 = arith.constant 0 : i32
    %get3A_43 = arith.index_cast %get3A_42 : i32 to index
    %get3A_44 = arith.constant 128 : index
    %get3A_45 = tpu.vector_load %arg6[%get3A_43, %get3A_44] {strides = array<i32>} : memref<2x256xf32, #tpu.memory_space<vmem>>, vector<1x16xf32>,
    %get3A_46 = vector.shape_cast %get3A_45 : vector<1x16xf32> to vector<16xf32>
    %get3A_47 = arith.constant 0 : i32
    %get3A_48 = arith.index_cast %get3A_47 : i32 to index
    %get3A_49 = arith.constant 144 : index
    %get3A_50 = tpu.vector_load %arg6[%get3A_48, %get3A_49] {strides = array<i32>} : memref<2x256xf32, #tpu.memory_space<vmem>>, vector<1x16xf32>,
    %get3A_51 = vector.shape_cast %get3A_50 : vector<1x16xf32> to vector<16xf32>
    %get3A_52 = arith.constant 0 : i32
    %get3A_53 = arith.index_cast %get3A_52 : i32 to index
    %get3A_54 = arith.constant 160 : index
    %get3A_55 = tpu.vector_load %arg6[%get3A_53, %get3A_54] {strides = array<i32>} : memref<2x256xf32, #tpu.memory_space<vmem>>, vector<1x16xf32>,
    %get3A_56 = vector.shape_cast %get3A_55 : vector<1x16xf32> to vector<16xf32>
    %get3A_57 = arith.constant 0 : i32
    %get3A_58 = arith.index_cast %get3A_57 : i32 to index
    %get3A_59 = arith.constant 176 : index
    %get3A_60 = tpu.vector_load %arg6[%get3A_58, %get3A_59] {strides = array<i32>} : memref<2x256xf32, #tpu.memory_space<vmem>>, vector<1x16xf32>,
    %get3A_61 = vector.shape_cast %get3A_60 : vector<1x16xf32> to vector<16xf32>
    %get3A_62 = arith.constant 0 : i32
    %get3A_63 = arith.index_cast %get3A_62 : i32 to index
    %get3A_64 = arith.constant 192 : index
    %get3A_65 = tpu.vector_load %arg6[%get3A_63, %get3A_64] {strides = array<i32>} : memref<2x256xf32, #tpu.memory_space<vmem>>, vector<1x16xf32>,
    %get3A_66 = vector.shape_cast %get3A_65 : vector<1x16xf32> to vector<16xf32>
    %get3A_67 = arith.constant 0 : i32
    %get3A_68 = arith.index_cast %get3A_67 : i32 to index
    %get3A_69 = arith.constant 208 : index
    %get3A_70 = tpu.vector_load %arg6[%get3A_68, %get3A_69] {strides = array<i32>} : memref<2x256xf32, #tpu.memory_space<vmem>>, vector<1x16xf32>,
    %get3A_71 = vector.shape_cast %get3A_70 : vector<1x16xf32> to vector<16xf32>
    %get3A_72 = arith.constant 0 : i32
    %get3A_73 = arith.index_cast %get3A_72 : i32 to index
    %get3A_74 = arith.constant 224 : index
    %get3A_75 = tpu.vector_load %arg6[%get3A_73, %get3A_74] {strides = array<i32>} : memref<2x256xf32, #tpu.memory_space<vmem>>, vector<1x16xf32>,
    %get3A_76 = vector.shape_cast %get3A_75 : vector<1x16xf32> to vector<16xf32>
    %get3A_77 = arith.constant 0 : i32
    %get3A_78 = arith.index_cast %get3A_77 : i32 to index
    %get3A_79 = arith.constant 240 : index
    %get3A_80 = tpu.vector_load %arg6[%get3A_78, %get3A_79] {strides = array<i32>} : memref<2x256xf32, #tpu.memory_space<vmem>>, vector<1x16xf32>,
    %get3A_81 = vector.shape_cast %get3A_80 : vector<1x16xf32> to vector<16xf32>
    %get3A_82 = arith.constant 1 : i32
    %get3A_83 = arith.index_cast %get3A_82 : i32 to index
    %get3A_84 = arith.constant 0 : index
    %get3A_85 = tpu.vector_load %arg6[%get3A_83, %get3A_84] {strides = array<i32>} : memref<2x256xf32, #tpu.memory_space<vmem>>, vector<1x16xf32>,
    %get3A_86 = vector.shape_cast %get3A_85 : vector<1x16xf32> to vector<16xf32>
    %get3A_87 = arith.constant 1 : i32
    %get3A_88 = arith.index_cast %get3A_87 : i32 to index
    %get3A_89 = arith.constant 16 : index
    %get3A_90 = tpu.vector_load %arg6[%get3A_88, %get3A_89] {strides = array<i32>} : memref<2x256xf32, #tpu.memory_space<vmem>>, vector<1x16xf32>,
    %get3A_91 = vector.shape_cast %get3A_90 : vector<1x16xf32> to vector<16xf32>
    %get3A_92 = arith.constant 1 : i32
    %get3A_93 = arith.index_cast %get3A_92 : i32 to index
    %get3A_94 = arith.constant 32 : index
    %get3A_95 = tpu.vector_load %arg6[%get3A_93, %get3A_94] {strides = array<i32>} : memref<2x256xf32, #tpu.memory_space<vmem>>, vector<1x16xf32>,
    %get3A_96 = vector.shape_cast %get3A_95 : vector<1x16xf32> to vector<16xf32>
    %get3A_97 = arith.constant 1 : i32
    %get3A_98 = arith.index_cast %get3A_97 : i32 to index
    %get3A_99 = arith.constant 48 : index
    %get3A_100 = tpu.vector_load %arg6[%get3A_98, %get3A_99] {strides = array<i32>} : memref<2x256xf32, #tpu.memory_space<vmem>>, vector<1x16xf32>,
    %get3A_101 = vector.shape_cast %get3A_100 : vector<1x16xf32> to vector<16xf32>
    %get3A_102 = arith.constant 1 : i32
    %get3A_103 = arith.index_cast %get3A_102 : i32 to index
    %get3A_104 = arith.constant 64 : index
    %get3A_105 = tpu.vector_load %arg6[%get3A_103, %get3A_104] {strides = array<i32>} : memref<2x256xf32, #tpu.memory_space<vmem>>, vector<1x16xf32>,
    %get3A_106 = vector.shape_cast %get3A_105 : vector<1x16xf32> to vector<16xf32>
    %get3A_107 = arith.constant 1 : i32
    %get3A_108 = arith.index_cast %get3A_107 : i32 to index
    %get3A_109 = arith.constant 80 : index
    %get3A_110 = tpu.vector_load %arg6[%get3A_108, %get3A_109] {strides = array<i32>} : memref<2x256xf32, #tpu.memory_space<vmem>>, vector<1x16xf32>,
    %get3A_111 = vector.shape_cast %get3A_110 : vector<1x16xf32> to vector<16xf32>
    %get3A_112 = arith.constant 1 : i32
    %get3A_113 = arith.index_cast %get3A_112 : i32 to index
    %get3A_114 = arith.constant 96 : index
    %get3A_115 = tpu.vector_load %arg6[%get3A_113, %get3A_114] {strides = array<i32>} : memref<2x256xf32, #tpu.memory_space<vmem>>, vector<1x16xf32>,
    %get3A_116 = vector.shape_cast %get3A_115 : vector<1x16xf32> to vector<16xf32>
    %get3A_117 = arith.constant 1 : i32
    %get3A_118 = arith.index_cast %get3A_117 : i32 to index
    %get3A_119 = arith.constant 112 : index
    %get3A_120 = tpu.vector_load %arg6[%get3A_118, %get3A_119] {strides = array<i32>} : memref<2x256xf32, #tpu.memory_space<vmem>>, vector<1x16xf32>,
    %get3A_121 = vector.shape_cast %get3A_120 : vector<1x16xf32> to vector<16xf32>
    %get3A_122 = arith.constant 1 : i32
    %get3A_123 = arith.index_cast %get3A_122 : i32 to index
    %get3A_124 = arith.constant 128 : index
    %get3A_125 = tpu.vector_load %arg6[%get3A_123, %get3A_124] {strides = array<i32>} : memref<2x256xf32, #tpu.memory_space<vmem>>, vector<1x16xf32>,
    %get3A_126 = vector.shape_cast %get3A_125 : vector<1x16xf32> to vector<16xf32>
    %get3A_127 = arith.constant 1 : i32
    %get3A_128 = arith.index_cast %get3A_127 : i32 to index
    %get3A_129 = arith.constant 144 : index
    %get3A_130 = tpu.vector_load %arg6[%get3A_128, %get3A_129] {strides = array<i32>} : memref<2x256xf32, #tpu.memory_space<vmem>>, vector<1x16xf32>,
    %get3A_131 = vector.shape_cast %get3A_130 : vector<1x16xf32> to vector<16xf32>
    %get3A_132 = arith.constant 1 : i32
    %get3A_133 = arith.index_cast %get3A_132 : i32 to index
    %get3A_134 = arith.constant 160 : index
    %get3A_135 = tpu.vector_load %arg6[%get3A_133, %get3A_134] {strides = array<i32>} : memref<2x256xf32, #tpu.memory_space<vmem>>, vector<1x16xf32>,
    %get3A_136 = vector.shape_cast %get3A_135 : vector<1x16xf32> to vector<16xf32>
    %get3A_137 = arith.constant 1 : i32
    %get3A_138 = arith.index_cast %get3A_137 : i32 to index
    %get3A_139 = arith.constant 176 : index
    %get3A_140 = tpu.vector_load %arg6[%get3A_138, %get3A_139] {strides = array<i32>} : memref<2x256xf32, #tpu.memory_space<vmem>>, vector<1x16xf32>,
    %get3A_141 = vector.shape_cast %get3A_140 : vector<1x16xf32> to vector<16xf32>
    %get3A_142 = arith.constant 1 : i32
    %get3A_143 = arith.index_cast %get3A_142 : i32 to index
    %get3A_144 = arith.constant 192 : index
    %get3A_145 = tpu.vector_load %arg6[%get3A_143, %get3A_144] {strides = array<i32>} : memref<2x256xf32, #tpu.memory_space<vmem>>, vector<1x16xf32>,
    %get3A_146 = vector.shape_cast %get3A_145 : vector<1x16xf32> to vector<16xf32>
    %get3A_147 = arith.constant 1 : i32
    %get3A_148 = arith.index_cast %get3A_147 : i32 to index
    %get3A_149 = arith.constant 208 : index
    %get3A_150 = tpu.vector_load %arg6[%get3A_148, %get3A_149] {strides = array<i32>} : memref<2x256xf32, #tpu.memory_space<vmem>>, vector<1x16xf32>,
    %get3A_151 = vector.shape_cast %get3A_150 : vector<1x16xf32> to vector<16xf32>
    %get3A_152 = arith.constant 1 : i32
    %get3A_153 = arith.index_cast %get3A_152 : i32 to index
    %get3A_154 = arith.constant 224 : index
    %get3A_155 = tpu.vector_load %arg6[%get3A_153, %get3A_154] {strides = array<i32>} : memref<2x256xf32, #tpu.memory_space<vmem>>, vector<1x16xf32>,
    %get3A_156 = vector.shape_cast %get3A_155 : vector<1x16xf32> to vector<16xf32>
    %get3A_157 = arith.constant 1 : i32
    %get3A_158 = arith.index_cast %get3A_157 : i32 to index
    %get3A_159 = arith.constant 240 : index
    %get3A_160 = tpu.vector_load %arg6[%get3A_158, %get3A_159] {strides = array<i32>} : memref<2x256xf32, #tpu.memory_space<vmem>>, vector<1x16xf32>,
    %get3A_161 = vector.shape_cast %get3A_160 : vector<1x16xf32> to vector<16xf32>
    %scan3A = arith.constant 0 : i32
    %scan3A_162 = arith.constant 0 : i32
    %scan3A_163 = arith.constant 8 : i32
    %scan3A_164 = arith.addi %scan3A_162, %scan3A_163 : i32
    %scan3A_165 = arith.constant 1 : i32
    scf.for %scan3A_176 = %scan3A_162 to %scan3A_164 step %scan3A_165  : i32 {
      %and3A = arith.constant 1 : i32
      %and3A_177 = arith.andi %scan3A_176, %and3A : i32
      %jit3A = arith.constant 2 : i32
      %div3A = arith.divsi %scan3A_176, %jit3A : i32
      %sign3A = arith.constant 0 : i32
      %sign3A_178 = arith.cmpi sgt, %scan3A_176, %sign3A : i32
      %sign3A_179 = arith.extui %sign3A_178 : i1 to i32
      %sign3A_180 = arith.constant 0 : i32
      %sign3A_181 = arith.cmpi slt, %scan3A_176, %sign3A_180 : i32
      %sign3A_182 = arith.extui %sign3A_181 : i1 to i32
      %sign3A_183 = arith.subi %sign3A_179, %sign3A_182 : i32
      %sign3A_184 = arith.constant 0 : i32
      %sign3A_185 = arith.cmpi sgt, %jit3A, %sign3A_184 : i32
      %sign3A_186 = arith.extui %sign3A_185 : i1 to i32
      %sign3A_187 = arith.constant 0 : i32
      %sign3A_188 = arith.cmpi slt, %jit3A, %sign3A_187 : i32
      %sign3A_189 = arith.extui %sign3A_188 : i1 to i32
      %sign3A_190 = arith.subi %sign3A_186, %sign3A_189 : i32
      %ne3A = arith.cmpi ne, %sign3A_183, %sign3A_190 : i32
      %rem3A = arith.remsi %scan3A_176, %jit3A : i32
      %ne3A_191 = arith.constant 0 : i32
      %ne3A_192 = arith.cmpi ne, %rem3A, %ne3A_191 : i32
      %and3A_193 = arith.andi %ne3A, %ne3A_192 : i1
      %sub3A = arith.constant 1 : i32
      %sub3A_194 = arith.subi %div3A, %sub3A : i32
      %select_n3A = arith.select %and3A_193, %sub3A_194, %div3A : i32
      %sub3A_195 = arith.constant 1 : i32
      %sub3A_196 = arith.subi %sub3A_195, %and3A_177 : i32
      %shift_right_logical3A = arith.shrui %select_n3A, %sub3A_196 : i32
      %and3A_197 = arith.constant 1 : i32
      %and3A_198 = arith.andi %shift_right_logical3A, %and3A_197 : i32
      %ne3A_199 = arith.constant 0 : i32
      %ne3A_200 = arith.cmpi ne, %and3A_198, %ne3A_199 : i32
      %select_n3A_201 = arith.select %ne3A_200, %get3A_86, %get3A_6 : vector<16xf32>
      %swap3A = arith.index_cast %scan3A_176 : i32 to index
      %swap3A_202 = arith.constant 0 : index
      %swap3A_203 = tpu.vector_load %arg7[%swap3A, %swap3A_202] {strides = array<i32>} : memref<8x256xf32, #tpu.memory_space<vmem>>, vector<1x16xf32>,
      %swap3A_204 = vector.shape_cast %swap3A_203 : vector<1x16xf32> to vector<16xf32>
      %swap3A_205 = vector.shape_cast %select_n3A_201 : vector<16xf32> to vector<1x16xf32>
      tpu.vector_store %arg7[%swap3A, %swap3A_202], %swap3A_205 {strides = array<i32>} : memref<8x256xf32, #tpu.memory_space<vmem>>, vector<1x16xf32>,
      %select_n3A_206 = arith.select %ne3A_200, %get3A_91, %get3A_11 : vector<16xf32>
      %swap3A_207 = arith.index_cast %scan3A_176 : i32 to index
      %swap3A_208 = arith.constant 16 : index
      %swap3A_209 = tpu.vector_load %arg7[%swap3A_207, %swap3A_208] {strides = array<i32>} : memref<8x256xf32, #tpu.memory_space<vmem>>, vector<1x16xf32>,
      %swap3A_210 = vector.shape_cast %swap3A_209 : vector<1x16xf32> to vector<16xf32>
      %swap3A_211 = vector.shape_cast %select_n3A_206 : vector<16xf32> to vector<1x16xf32>
      tpu.vector_store %arg7[%swap3A_207, %swap3A_208], %swap3A_211 {strides = array<i32>} : memref<8x256xf32, #tpu.memory_space<vmem>>, vector<1x16xf32>,
      %select_n3A_212 = arith.select %ne3A_200, %get3A_96, %get3A_16 : vector<16xf32>
      %swap3A_213 = arith.index_cast %scan3A_176 : i32 to index
      %swap3A_214 = arith.constant 32 : index
      %swap3A_215 = tpu.vector_load %arg7[%swap3A_213, %swap3A_214] {strides = array<i32>} : memref<8x256xf32, #tpu.memory_space<vmem>>, vector<1x16xf32>,
      %swap3A_216 = vector.shape_cast %swap3A_215 : vector<1x16xf32> to vector<16xf32>
      %swap3A_217 = vector.shape_cast %select_n3A_212 : vector<16xf32> to vector<1x16xf32>
      tpu.vector_store %arg7[%swap3A_213, %swap3A_214], %swap3A_217 {strides = array<i32>} : memref<8x256xf32, #tpu.memory_space<vmem>>, vector<1x16xf32>,
      %select_n3A_218 = arith.select %ne3A_200, %get3A_101, %get3A_21 : vector<16xf32>
      %swap3A_219 = arith.index_cast %scan3A_176 : i32 to index
      %swap3A_220 = arith.constant 48 : index
      %swap3A_221 = tpu.vector_load %arg7[%swap3A_219, %swap3A_220] {strides = array<i32>} : memref<8x256xf32, #tpu.memory_space<vmem>>, vector<1x16xf32>,
      %swap3A_222 = vector.shape_cast %swap3A_221 : vector<1x16xf32> to vector<16xf32>
      %swap3A_223 = vector.shape_cast %select_n3A_218 : vector<16xf32> to vector<1x16xf32>
      tpu.vector_store %arg7[%swap3A_219, %swap3A_220], %swap3A_223 {strides = array<i32>} : memref<8x256xf32, #tpu.memory_space<vmem>>, vector<1x16xf32>,
      %select_n3A_224 = arith.select %ne3A_200, %get3A_106, %get3A_26 : vector<16xf32>
      %swap3A_225 = arith.index_cast %scan3A_176 : i32 to index
      %swap3A_226 = arith.constant 64 : index
      %swap3A_227 = tpu.vector_load %arg7[%swap3A_225, %swap3A_226] {strides = array<i32>} : memref<8x256xf32, #tpu.memory_space<vmem>>, vector<1x16xf32>,
      %swap3A_228 = vector.shape_cast %swap3A_227 : vector<1x16xf32> to vector<16xf32>
      %swap3A_229 = vector.shape_cast %select_n3A_224 : vector<16xf32> to vector<1x16xf32>
      tpu.vector_store %arg7[%swap3A_225, %swap3A_226], %swap3A_229 {strides = array<i32>} : memref<8x256xf32, #tpu.memory_space<vmem>>, vector<1x16xf32>,
      %select_n3A_230 = arith.select %ne3A_200, %get3A_111, %get3A_31 : vector<16xf32>
      %swap3A_231 = arith.index_cast %scan3A_176 : i32 to index
      %swap3A_232 = arith.constant 80 : index
      %swap3A_233 = tpu.vector_load %arg7[%swap3A_231, %swap3A_232] {strides = array<i32>} : memref<8x256xf32, #tpu.memory_space<vmem>>, vector<1x16xf32>,
      %swap3A_234 = vector.shape_cast %swap3A_233 : vector<1x16xf32> to vector<16xf32>
      %swap3A_235 = vector.shape_cast %select_n3A_230 : vector<16xf32> to vector<1x16xf32>
      tpu.vector_store %arg7[%swap3A_231, %swap3A_232], %swap3A_235 {strides = array<i32>} : memref<8x256xf32, #tpu.memory_space<vmem>>, vector<1x16xf32>,
      %select_n3A_236 = arith.select %ne3A_200, %get3A_116, %get3A_36 : vector<16xf32>
      %swap3A_237 = arith.index_cast %scan3A_176 : i32 to index
      %swap3A_238 = arith.constant 96 : index
      %swap3A_239 = tpu.vector_load %arg7[%swap3A_237, %swap3A_238] {strides = array<i32>} : memref<8x256xf32, #tpu.memory_space<vmem>>, vector<1x16xf32>,
      %swap3A_240 = vector.shape_cast %swap3A_239 : vector<1x16xf32> to vector<16xf32>
      %swap3A_241 = vector.shape_cast %select_n3A_236 : vector<16xf32> to vector<1x16xf32>
      tpu.vector_store %arg7[%swap3A_237, %swap3A_238], %swap3A_241 {strides = array<i32>} : memref<8x256xf32, #tpu.memory_space<vmem>>, vector<1x16xf32>,
      %select_n3A_242 = arith.select %ne3A_200, %get3A_121, %get3A_41 : vector<16xf32>
      %swap3A_243 = arith.index_cast %scan3A_176 : i32 to index
      %swap3A_244 = arith.constant 112 : index
      %swap3A_245 = tpu.vector_load %arg7[%swap3A_243, %swap3A_244] {strides = array<i32>} : memref<8x256xf32, #tpu.memory_space<vmem>>, vector<1x16xf32>,
      %swap3A_246 = vector.shape_cast %swap3A_245 : vector<1x16xf32> to vector<16xf32>
      %swap3A_247 = vector.shape_cast %select_n3A_242 : vector<16xf32> to vector<1x16xf32>
      tpu.vector_store %arg7[%swap3A_243, %swap3A_244], %swap3A_247 {strides = array<i32>} : memref<8x256xf32, #tpu.memory_space<vmem>>, vector<1x16xf32>,
      %select_n3A_248 = arith.select %ne3A_200, %get3A_126, %get3A_46 : vector<16xf32>
      %swap3A_249 = arith.index_cast %scan3A_176 : i32 to index
      %swap3A_250 = arith.constant 128 : index
      %swap3A_251 = tpu.vector_load %arg7[%swap3A_249, %swap3A_250] {strides = array<i32>} : memref<8x256xf32, #tpu.memory_space<vmem>>, vector<1x16xf32>,
      %swap3A_252 = vector.shape_cast %swap3A_251 : vector<1x16xf32> to vector<16xf32>
      %swap3A_253 = vector.shape_cast %select_n3A_248 : vector<16xf32> to vector<1x16xf32>
      tpu.vector_store %arg7[%swap3A_249, %swap3A_250], %swap3A_253 {strides = array<i32>} : memref<8x256xf32, #tpu.memory_space<vmem>>, vector<1x16xf32>,
      %select_n3A_254 = arith.select %ne3A_200, %get3A_131, %get3A_51 : vector<16xf32>
      %swap3A_255 = arith.index_cast %scan3A_176 : i32 to index
      %swap3A_256 = arith.constant 144 : index
      %swap3A_257 = tpu.vector_load %arg7[%swap3A_255, %swap3A_256] {strides = array<i32>} : memref<8x256xf32, #tpu.memory_space<vmem>>, vector<1x16xf32>,
      %swap3A_258 = vector.shape_cast %swap3A_257 : vector<1x16xf32> to vector<16xf32>
      %swap3A_259 = vector.shape_cast %select_n3A_254 : vector<16xf32> to vector<1x16xf32>
      tpu.vector_store %arg7[%swap3A_255, %swap3A_256], %swap3A_259 {strides = array<i32>} : memref<8x256xf32, #tpu.memory_space<vmem>>, vector<1x16xf32>,
      %select_n3A_260 = arith.select %ne3A_200, %get3A_136, %get3A_56 : vector<16xf32>
      %swap3A_261 = arith.index_cast %scan3A_176 : i32 to index
      %swap3A_262 = arith.constant 160 : index
      %swap3A_263 = tpu.vector_load %arg7[%swap3A_261, %swap3A_262] {strides = array<i32>} : memref<8x256xf32, #tpu.memory_space<vmem>>, vector<1x16xf32>,
      %swap3A_264 = vector.shape_cast %swap3A_263 : vector<1x16xf32> to vector<16xf32>
      %swap3A_265 = vector.shape_cast %select_n3A_260 : vector<16xf32> to vector<1x16xf32>
      tpu.vector_store %arg7[%swap3A_261, %swap3A_262], %swap3A_265 {strides = array<i32>} : memref<8x256xf32, #tpu.memory_space<vmem>>, vector<1x16xf32>,
      %select_n3A_266 = arith.select %ne3A_200, %get3A_141, %get3A_61 : vector<16xf32>
      %swap3A_267 = arith.index_cast %scan3A_176 : i32 to index
      %swap3A_268 = arith.constant 176 : index
      %swap3A_269 = tpu.vector_load %arg7[%swap3A_267, %swap3A_268] {strides = array<i32>} : memref<8x256xf32, #tpu.memory_space<vmem>>, vector<1x16xf32>,
      %swap3A_270 = vector.shape_cast %swap3A_269 : vector<1x16xf32> to vector<16xf32>
      %swap3A_271 = vector.shape_cast %select_n3A_266 : vector<16xf32> to vector<1x16xf32>
      tpu.vector_store %arg7[%swap3A_267, %swap3A_268], %swap3A_271 {strides = array<i32>} : memref<8x256xf32, #tpu.memory_space<vmem>>, vector<1x16xf32>,
      %select_n3A_272 = arith.select %ne3A_200, %get3A_146, %get3A_66 : vector<16xf32>
      %swap3A_273 = arith.index_cast %scan3A_176 : i32 to index
      %swap3A_274 = arith.constant 192 : index
      %swap3A_275 = tpu.vector_load %arg7[%swap3A_273, %swap3A_274] {strides = array<i32>} : memref<8x256xf32, #tpu.memory_space<vmem>>, vector<1x16xf32>,
      %swap3A_276 = vector.shape_cast %swap3A_275 : vector<1x16xf32> to vector<16xf32>
      %swap3A_277 = vector.shape_cast %select_n3A_272 : vector<16xf32> to vector<1x16xf32>
      tpu.vector_store %arg7[%swap3A_273, %swap3A_274], %swap3A_277 {strides = array<i32>} : memref<8x256xf32, #tpu.memory_space<vmem>>, vector<1x16xf32>,
      %select_n3A_278 = arith.select %ne3A_200, %get3A_151, %get3A_71 : vector<16xf32>
      %swap3A_279 = arith.index_cast %scan3A_176 : i32 to index
      %swap3A_280 = arith.constant 208 : index
      %swap3A_281 = tpu.vector_load %arg7[%swap3A_279, %swap3A_280] {strides = array<i32>} : memref<8x256xf32, #tpu.memory_space<vmem>>, vector<1x16xf32>,
      %swap3A_282 = vector.shape_cast %swap3A_281 : vector<1x16xf32> to vector<16xf32>
      %swap3A_283 = vector.shape_cast %select_n3A_278 : vector<16xf32> to vector<1x16xf32>
      tpu.vector_store %arg7[%swap3A_279, %swap3A_280], %swap3A_283 {strides = array<i32>} : memref<8x256xf32, #tpu.memory_space<vmem>>, vector<1x16xf32>,
      %select_n3A_284 = arith.select %ne3A_200, %get3A_156, %get3A_76 : vector<16xf32>
      %swap3A_285 = arith.index_cast %scan3A_176 : i32 to index
      %swap3A_286 = arith.constant 224 : index
      %swap3A_287 = tpu.vector_load %arg7[%swap3A_285, %swap3A_286] {strides = array<i32>} : memref<8x256xf32, #tpu.memory_space<vmem>>, vector<1x16xf32>,
      %swap3A_288 = vector.shape_cast %swap3A_287 : vector<1x16xf32> to vector<16xf32>
      %swap3A_289 = vector.shape_cast %select_n3A_284 : vector<16xf32> to vector<1x16xf32>
      tpu.vector_store %arg7[%swap3A_285, %swap3A_286], %swap3A_289 {strides = array<i32>} : memref<8x256xf32, #tpu.memory_space<vmem>>, vector<1x16xf32>,
      %select_n3A_290 = arith.select %ne3A_200, %get3A_161, %get3A_81 : vector<16xf32>
      %swap3A_291 = arith.index_cast %scan3A_176 : i32 to index
      %swap3A_292 = arith.constant 240 : index
      %swap3A_293 = tpu.vector_load %arg7[%swap3A_291, %swap3A_292] {strides = array<i32>} : memref<8x256xf32, #tpu.memory_space<vmem>>, vector<1x16xf32>,
      %swap3A_294 = vector.shape_cast %swap3A_293 : vector<1x16xf32> to vector<16xf32>
      %swap3A_295 = vector.shape_cast %select_n3A_290 : vector<16xf32> to vector<1x16xf32>
      tpu.vector_store %arg7[%swap3A_291, %swap3A_292], %swap3A_295 {strides = array<i32>} : memref<8x256xf32, #tpu.memory_space<vmem>>, vector<1x16xf32>,
    }
    %scan3A_166 = arith.constant 8 : i32
    %scan3A_167 = arith.constant 0 : i32
    %scan3A_168 = arith.constant 0 : i32
    %scan3A_169 = arith.constant 32 : i32
    %scan3A_170 = arith.addi %scan3A_168, %scan3A_169 : i32
    %scan3A_171 = arith.constant 1 : i32
    scf.for %scan3A_176 = %scan3A_168 to %scan3A_170 step %scan3A_171  : i32 {
      %mul3A_177 = arith.constant 16 : i32
      %mul3A_178 = arith.muli %mul3A_177, %scan3A_176 : i32
      %get3A_179 = arith.index_cast %mul3A_178 : i32 to index
      %get3A_180 = tpu.vector_load %arg5[%get3A_179] {strides = array<i32>} : memref<528xi32, #tpu.memory_space<vmem>>, vector<16xi32>,
      %get3A_181 = vector.shape_cast %get3A_180 : vector<16xi32> to vector<16xi32>
      %slice3A = vector.extract_strided_slice %get3A_181 {offsets = [0], sizes = [1], strides = [1]} : vector<16xi32> to vector<1xi32>
      %squeeze3A = vector.extract %slice3A[0] : i32 from vector<1xi32>
      %mul3A_182 = arith.constant 2 : i32
      %mul3A_183 = arith.muli %squeeze3A, %mul3A_182 : i32
      %slice3A_184 = vector.extract_strided_slice %get3A_181 {offsets = [1], sizes = [1], strides = [1]} : vector<16xi32> to vector<1xi32>
      %squeeze3A_185 = vector.extract %slice3A_184[0] : i32 from vector<1xi32>
      %add3A_186 = arith.addi %mul3A_183, %squeeze3A_185 : i32
      %mul3A_187 = arith.constant 2 : i32
      %mul3A_188 = arith.muli %mul3A_187, %add3A_186 : i32
      %mul3A_189 = arith.constant 16 : i32
      %mul3A_190 = arith.muli %mul3A_189, %scan3A_176 : i32
      %add3A_191 = arith.addi %mul3A_2, %mul3A_190 : i32
      %add3A_192 = arith.constant 0 : i32
      %add3A_193 = arith.addi %add3A_191, %add3A_192 : i32
      %dma_start3A = arith.constant 0 : i32
      %dma_start3A_194 = tpu.memref_slice %arg7[%mul3A_188, %dma_start3A] : memref<8x256xf32, #tpu.memory_space<vmem>> -> memref<2x256xf32, #tpu.memory_space<vmem>>
      %dma_start3A_195 = arith.constant 0 : i32
      %dma_start3A_196 = tpu.memref_slice %arg4[%add3A_193, %dma_start3A_195] : memref<16384x256xf32, #tpu.memory_space<hbm>> -> memref<2x256xf32, #tpu.memory_space<hbm>>
      %dma_start3A_197 = arith.constant 0 : i32
      %dma_start3A_198 = tpu.memref_slice %arg4[%add3A_193, %dma_start3A_197] : memref<16384x256xf32, #tpu.memory_space<hbm>> -> memref<2x256xf32, #tpu.memory_space<hbm>>
      %dma_start3A_199 = arith.constant 0 : i32
      %dma_start3A_200 = tpu.memref_slice %arg7[%mul3A_188, %dma_start3A_199] : memref<8x256xf32, #tpu.memory_space<vmem>> -> memref<2x256xf32, #tpu.memory_space<vmem>>
      tpu.enqueue_dma source(%dma_start3A_200 : memref<2x256xf32, #tpu.memory_space<vmem>>) target(%dma_start3A_198 : memref<2x256xf32, #tpu.memory_space<hbm>>) target_semaphore(%arg8 : memref<!tpu.dma_semaphore, #tpu.memory_space<semaphore_mem>>)
      %slice3A_201 = vector.extract_strided_slice %get3A_181 {offsets = [2], sizes = [1], strides = [1]} : vector<16xi32> to vector<1xi32>
      %squeeze3A_202 = vector.extract %slice3A_201[0] : i32 from vector<1xi32>
      %mul3A_203 = arith.constant 2 : i32
      %mul3A_204 = arith.muli %squeeze3A_202, %mul3A_203 : i32
      %slice3A_205 = vector.extract_strided_slice %get3A_181 {offsets = [3], sizes = [1], strides = [1]} : vector<16xi32> to vector<1xi32>
      %squeeze3A_206 = vector.extract %slice3A_205[0] : i32 from vector<1xi32>
      %add3A_207 = arith.addi %mul3A_204, %squeeze3A_206 : i32
      %mul3A_208 = arith.constant 2 : i32
      %mul3A_209 = arith.muli %mul3A_208, %add3A_207 : i32
      %mul3A_210 = arith.constant 16 : i32
      %mul3A_211 = arith.muli %mul3A_210, %scan3A_176 : i32
      %add3A_212 = arith.addi %mul3A_2, %mul3A_211 : i32
      %add3A_213 = arith.constant 2 : i32
      %add3A_214 = arith.addi %add3A_212, %add3A_213 : i32
      %dma_start3A_215 = arith.constant 0 : i32
      %dma_start3A_216 = tpu.memref_slice %arg7[%mul3A_209, %dma_start3A_215] : memref<8x256xf32, #tpu.memory_space<vmem>> -> memref<2x256xf32, #tpu.memory_space<vmem>>
      %dma_start3A_217 = arith.constant 0 : i32
      %dma_start3A_218 = tpu.memref_slice %arg4[%add3A_214, %dma_start3A_217] : memref<16384x256xf32, #tpu.memory_space<hbm>> -> memref<2x256xf32, #tpu.memory_space<hbm>>
      %dma_start3A_219 = arith.constant 0 : i32
      %dma_start3A_220 = tpu.memref_slice %arg4[%add3A_214, %dma_start3A_219] : memref<16384x256xf32, #tpu.memory_space<hbm>> -> memref<2x256xf32, #tpu.memory_space<hbm>>
      %dma_start3A_221 = arith.constant 0 : i32
      %dma_start3A_222 = tpu.memref_slice %arg7[%mul3A_209, %dma_start3A_221] : memref<8x256xf32, #tpu.memory_space<vmem>> -> memref<2x256xf32, #tpu.memory_space<vmem>>
      tpu.enqueue_dma source(%dma_start3A_222 : memref<2x256xf32, #tpu.memory_space<vmem>>) target(%dma_start3A_220 : memref<2x256xf32, #tpu.memory_space<hbm>>) target_semaphore(%arg8 : memref<!tpu.dma_semaphore, #tpu.memory_space<semaphore_mem>>)
      %slice3A_223 = vector.extract_strided_slice %get3A_181 {offsets = [4], sizes = [1], strides = [1]} : vector<16xi32> to vector<1xi32>
      %squeeze3A_224 = vector.extract %slice3A_223[0] : i32 from vector<1xi32>
      %mul3A_225 = arith.constant 2 : i32
      %mul3A_226 = arith.muli %squeeze3A_224, %mul3A_225 : i32
      %slice3A_227 = vector.extract_strided_slice %get3A_181 {offsets = [5], sizes = [1], strides = [1]} : vector<16xi32> to vector<1xi32>
      %squeeze3A_228 = vector.extract %slice3A_227[0] : i32 from vector<1xi32>
      %add3A_229 = arith.addi %mul3A_226, %squeeze3A_228 : i32
      %mul3A_230 = arith.constant 2 : i32
      %mul3A_231 = arith.muli %mul3A_230, %add3A_229 : i32
      %mul3A_232 = arith.constant 16 : i32
      %mul3A_233 = arith.muli %mul3A_232, %scan3A_176 : i32
      %add3A_234 = arith.addi %mul3A_2, %mul3A_233 : i32
      %add3A_235 = arith.constant 4 : i32
      %add3A_236 = arith.addi %add3A_234, %add3A_235 : i32
      %dma_start3A_237 = arith.constant 0 : i32
      %dma_start3A_238 = tpu.memref_slice %arg7[%mul3A_231, %dma_start3A_237] : memref<8x256xf32, #tpu.memory_space<vmem>> -> memref<2x256xf32, #tpu.memory_space<vmem>>
      %dma_start3A_239 = arith.constant 0 : i32
      %dma_start3A_240 = tpu.memref_slice %arg4[%add3A_236, %dma_start3A_239] : memref<16384x256xf32, #tpu.memory_space<hbm>> -> memref<2x256xf32, #tpu.memory_space<hbm>>
      %dma_start3A_241 = arith.constant 0 : i32
      %dma_start3A_242 = tpu.memref_slice %arg4[%add3A_236, %dma_start3A_241] : memref<16384x256xf32, #tpu.memory_space<hbm>> -> memref<2x256xf32, #tpu.memory_space<hbm>>
      %dma_start3A_243 = arith.constant 0 : i32
      %dma_start3A_244 = tpu.memref_slice %arg7[%mul3A_231, %dma_start3A_243] : memref<8x256xf32, #tpu.memory_space<vmem>> -> memref<2x256xf32, #tpu.memory_space<vmem>>
      tpu.enqueue_dma source(%dma_start3A_244 : memref<2x256xf32, #tpu.memory_space<vmem>>) target(%dma_start3A_242 : memref<2x256xf32, #tpu.memory_space<hbm>>) target_semaphore(%arg8 : memref<!tpu.dma_semaphore, #tpu.memory_space<semaphore_mem>>)
      %slice3A_245 = vector.extract_strided_slice %get3A_181 {offsets = [6], sizes = [1], strides = [1]} : vector<16xi32> to vector<1xi32>
      %squeeze3A_246 = vector.extract %slice3A_245[0] : i32 from vector<1xi32>
      %mul3A_247 = arith.constant 2 : i32
      %mul3A_248 = arith.muli %squeeze3A_246, %mul3A_247 : i32
      %slice3A_249 = vector.extract_strided_slice %get3A_181 {offsets = [7], sizes = [1], strides = [1]} : vector<16xi32> to vector<1xi32>
      %squeeze3A_250 = vector.extract %slice3A_249[0] : i32 from vector<1xi32>
      %add3A_251 = arith.addi %mul3A_248, %squeeze3A_250 : i32
      %mul3A_252 = arith.constant 2 : i32
      %mul3A_253 = arith.muli %mul3A_252, %add3A_251 : i32
      %mul3A_254 = arith.constant 16 : i32
      %mul3A_255 = arith.muli %mul3A_254, %scan3A_176 : i32
      %add3A_256 = arith.addi %mul3A_2, %mul3A_255 : i32
      %add3A_257 = arith.constant 6 : i32
      %add3A_258 = arith.addi %add3A_256, %add3A_257 : i32
      %dma_start3A_259 = arith.constant 0 : i32
      %dma_start3A_260 = tpu.memref_slice %arg7[%mul3A_253, %dma_start3A_259] : memref<8x256xf32, #tpu.memory_space<vmem>> -> memref<2x256xf32, #tpu.memory_space<vmem>>
      %dma_start3A_261 = arith.constant 0 : i32
      %dma_start3A_262 = tpu.memref_slice %arg4[%add3A_258, %dma_start3A_261] : memref<16384x256xf32, #tpu.memory_space<hbm>> -> memref<2x256xf32, #tpu.memory_space<hbm>>
      %dma_start3A_263 = arith.constant 0 : i32
      %dma_start3A_264 = tpu.memref_slice %arg4[%add3A_258, %dma_start3A_263] : memref<16384x256xf32, #tpu.memory_space<hbm>> -> memref<2x256xf32, #tpu.memory_space<hbm>>
      %dma_start3A_265 = arith.constant 0 : i32
      %dma_start3A_266 = tpu.memref_slice %arg7[%mul3A_253, %dma_start3A_265] : memref<8x256xf32, #tpu.memory_space<vmem>> -> memref<2x256xf32, #tpu.memory_space<vmem>>
      tpu.enqueue_dma source(%dma_start3A_266 : memref<2x256xf32, #tpu.memory_space<vmem>>) target(%dma_start3A_264 : memref<2x256xf32, #tpu.memory_space<hbm>>) target_semaphore(%arg8 : memref<!tpu.dma_semaphore, #tpu.memory_space<semaphore_mem>>)
      %slice3A_267 = vector.extract_strided_slice %get3A_181 {offsets = [8], sizes = [1], strides = [1]} : vector<16xi32> to vector<1xi32>
      %squeeze3A_268 = vector.extract %slice3A_267[0] : i32 from vector<1xi32>
      %mul3A_269 = arith.constant 2 : i32
      %mul3A_270 = arith.muli %squeeze3A_268, %mul3A_269 : i32
      %slice3A_271 = vector.extract_strided_slice %get3A_181 {offsets = [9], sizes = [1], strides = [1]} : vector<16xi32> to vector<1xi32>
      %squeeze3A_272 = vector.extract %slice3A_271[0] : i32 from vector<1xi32>
      %add3A_273 = arith.addi %mul3A_270, %squeeze3A_272 : i32
      %mul3A_274 = arith.constant 2 : i32
      %mul3A_275 = arith.muli %mul3A_274, %add3A_273 : i32
      %mul3A_276 = arith.constant 16 : i32
      %mul3A_277 = arith.muli %mul3A_276, %scan3A_176 : i32
      %add3A_278 = arith.addi %mul3A_2, %mul3A_277 : i32
      %add3A_279 = arith.constant 8 : i32
      %add3A_280 = arith.addi %add3A_278, %add3A_279 : i32
      %dma_start3A_281 = arith.constant 0 : i32
      %dma_start3A_282 = tpu.memref_slice %arg7[%mul3A_275, %dma_start3A_281] : memref<8x256xf32, #tpu.memory_space<vmem>> -> memref<2x256xf32, #tpu.memory_space<vmem>>
      %dma_start3A_283 = arith.constant 0 : i32
      %dma_start3A_284 = tpu.memref_slice %arg4[%add3A_280, %dma_start3A_283] : memref<16384x256xf32, #tpu.memory_space<hbm>> -> memref<2x256xf32, #tpu.memory_space<hbm>>
      %dma_start3A_285 = arith.constant 0 : i32
      %dma_start3A_286 = tpu.memref_slice %arg4[%add3A_280, %dma_start3A_285] : memref<16384x256xf32, #tpu.memory_space<hbm>> -> memref<2x256xf32, #tpu.memory_space<hbm>>
      %dma_start3A_287 = arith.constant 0 : i32
      %dma_start3A_288 = tpu.memref_slice %arg7[%mul3A_275, %dma_start3A_287] : memref<8x256xf32, #tpu.memory_space<vmem>> -> memref<2x256xf32, #tpu.memory_space<vmem>>
      tpu.enqueue_dma source(%dma_start3A_288 : memref<2x256xf32, #tpu.memory_space<vmem>>) target(%dma_start3A_286 : memref<2x256xf32, #tpu.memory_space<hbm>>) target_semaphore(%arg8 : memref<!tpu.dma_semaphore, #tpu.memory_space<semaphore_mem>>)
      %slice3A_289 = vector.extract_strided_slice %get3A_181 {offsets = [10], sizes = [1], strides = [1]} : vector<16xi32> to vector<1xi32>
      %squeeze3A_290 = vector.extract %slice3A_289[0] : i32 from vector<1xi32>
      %mul3A_291 = arith.constant 2 : i32
      %mul3A_292 = arith.muli %squeeze3A_290, %mul3A_291 : i32
      %slice3A_293 = vector.extract_strided_slice %get3A_181 {offsets = [11], sizes = [1], strides = [1]} : vector<16xi32> to vector<1xi32>
      %squeeze3A_294 = vector.extract %slice3A_293[0] : i32 from vector<1xi32>
      %add3A_295 = arith.addi %mul3A_292, %squeeze3A_294 : i32
      %mul3A_296 = arith.constant 2 : i32
      %mul3A_297 = arith.muli %mul3A_296, %add3A_295 : i32
      %mul3A_298 = arith.constant 16 : i32
      %mul3A_299 = arith.muli %mul3A_298, %scan3A_176 : i32
      %add3A_300 = arith.addi %mul3A_2, %mul3A_299 : i32
      %add3A_301 = arith.constant 10 : i32
      %add3A_302 = arith.addi %add3A_300, %add3A_301 : i32
      %dma_start3A_303 = arith.constant 0 : i32
      %dma_start3A_304 = tpu.memref_slice %arg7[%mul3A_297, %dma_start3A_303] : memref<8x256xf32, #tpu.memory_space<vmem>> -> memref<2x256xf32, #tpu.memory_space<vmem>>
      %dma_start3A_305 = arith.constant 0 : i32
      %dma_start3A_306 = tpu.memref_slice %arg4[%add3A_302, %dma_start3A_305] : memref<16384x256xf32, #tpu.memory_space<hbm>> -> memref<2x256xf32, #tpu.memory_space<hbm>>
      %dma_start3A_307 = arith.constant 0 : i32
      %dma_start3A_308 = tpu.memref_slice %arg4[%add3A_302, %dma_start3A_307] : memref<16384x256xf32, #tpu.memory_space<hbm>> -> memref<2x256xf32, #tpu.memory_space<hbm>>
      %dma_start3A_309 = arith.constant 0 : i32
      %dma_start3A_310 = tpu.memref_slice %arg7[%mul3A_297, %dma_start3A_309] : memref<8x256xf32, #tpu.memory_space<vmem>> -> memref<2x256xf32, #tpu.memory_space<vmem>>
      tpu.enqueue_dma source(%dma_start3A_310 : memref<2x256xf32, #tpu.memory_space<vmem>>) target(%dma_start3A_308 : memref<2x256xf32, #tpu.memory_space<hbm>>) target_semaphore(%arg8 : memref<!tpu.dma_semaphore, #tpu.memory_space<semaphore_mem>>)
      %slice3A_311 = vector.extract_strided_slice %get3A_181 {offsets = [12], sizes = [1], strides = [1]} : vector<16xi32> to vector<1xi32>
      %squeeze3A_312 = vector.extract %slice3A_311[0] : i32 from vector<1xi32>
      %mul3A_313 = arith.constant 2 : i32
      %mul3A_314 = arith.muli %squeeze3A_312, %mul3A_313 : i32
      %slice3A_315 = vector.extract_strided_slice %get3A_181 {offsets = [13], sizes = [1], strides = [1]} : vector<16xi32> to vector<1xi32>
      %squeeze3A_316 = vector.extract %slice3A_315[0] : i32 from vector<1xi32>
      %add3A_317 = arith.addi %mul3A_314, %squeeze3A_316 : i32
      %mul3A_318 = arith.constant 2 : i32
      %mul3A_319 = arith.muli %mul3A_318, %add3A_317 : i32
      %mul3A_320 = arith.constant 16 : i32
      %mul3A_321 = arith.muli %mul3A_320, %scan3A_176 : i32
      %add3A_322 = arith.addi %mul3A_2, %mul3A_321 : i32
      %add3A_323 = arith.constant 12 : i32
      %add3A_324 = arith.addi %add3A_322, %add3A_323 : i32
      %dma_start3A_325 = arith.constant 0 : i32
      %dma_start3A_326 = tpu.memref_slice %arg7[%mul3A_319, %dma_start3A_325] : memref<8x256xf32, #tpu.memory_space<vmem>> -> memref<2x256xf32, #tpu.memory_space<vmem>>
      %dma_start3A_327 = arith.constant 0 : i32
      %dma_start3A_328 = tpu.memref_slice %arg4[%add3A_324, %dma_start3A_327] : memref<16384x256xf32, #tpu.memory_space<hbm>> -> memref<2x256xf32, #tpu.memory_space<hbm>>
      %dma_start3A_329 = arith.constant 0 : i32
      %dma_start3A_330 = tpu.memref_slice %arg4[%add3A_324, %dma_start3A_329] : memref<16384x256xf32, #tpu.memory_space<hbm>> -> memref<2x256xf32, #tpu.memory_space<hbm>>
      %dma_start3A_331 = arith.constant 0 : i32
      %dma_start3A_332 = tpu.memref_slice %arg7[%mul3A_319, %dma_start3A_331] : memref<8x256xf32, #tpu.memory_space<vmem>> -> memref<2x256xf32, #tpu.memory_space<vmem>>
      tpu.enqueue_dma source(%dma_start3A_332 : memref<2x256xf32, #tpu.memory_space<vmem>>) target(%dma_start3A_330 : memref<2x256xf32, #tpu.memory_space<hbm>>) target_semaphore(%arg8 : memref<!tpu.dma_semaphore, #tpu.memory_space<semaphore_mem>>)
      %slice3A_333 = vector.extract_strided_slice %get3A_181 {offsets = [14], sizes = [1], strides = [1]} : vector<16xi32> to vector<1xi32>
      %squeeze3A_334 = vector.extract %slice3A_333[0] : i32 from vector<1xi32>
      %mul3A_335 = arith.constant 2 : i32
      %mul3A_336 = arith.muli %squeeze3A_334, %mul3A_335 : i32
      %slice3A_337 = vector.extract_strided_slice %get3A_181 {offsets = [15], sizes = [1], strides = [1]} : vector<16xi32> to vector<1xi32>
      %squeeze3A_338 = vector.extract %slice3A_337[0] : i32 from vector<1xi32>
      %add3A_339 = arith.addi %mul3A_336, %squeeze3A_338 : i32
      %mul3A_340 = arith.constant 2 : i32
      %mul3A_341 = arith.muli %mul3A_340, %add3A_339 : i32
      %mul3A_342 = arith.constant 16 : i32
      %mul3A_343 = arith.muli %mul3A_342, %scan3A_176 : i32
      %add3A_344 = arith.addi %mul3A_2, %mul3A_343 : i32
      %add3A_345 = arith.constant 14 : i32
      %add3A_346 = arith.addi %add3A_344, %add3A_345 : i32
      %dma_start3A_347 = arith.constant 0 : i32
      %dma_start3A_348 = tpu.memref_slice %arg7[%mul3A_341, %dma_start3A_347] : memref<8x256xf32, #tpu.memory_space<vmem>> -> memref<2x256xf32, #tpu.memory_space<vmem>>
      %dma_start3A_349 = arith.constant 0 : i32
      %dma_start3A_350 = tpu.memref_slice %arg4[%add3A_346, %dma_start3A_349] : memref<16384x256xf32, #tpu.memory_space<hbm>> -> memref<2x256xf32, #tpu.memory_space<hbm>>
      %dma_start3A_351 = arith.constant 0 : i32
      %dma_start3A_352 = tpu.memref_slice %arg4[%add3A_346, %dma_start3A_351] : memref<16384x256xf32, #tpu.memory_space<hbm>> -> memref<2x256xf32, #tpu.memory_space<hbm>>
      %dma_start3A_353 = arith.constant 0 : i32
      %dma_start3A_354 = tpu.memref_slice %arg7[%mul3A_341, %dma_start3A_353] : memref<8x256xf32, #tpu.memory_space<vmem>> -> memref<2x256xf32, #tpu.memory_space<vmem>>
      tpu.enqueue_dma source(%dma_start3A_354 : memref<2x256xf32, #tpu.memory_space<vmem>>) target(%dma_start3A_352 : memref<2x256xf32, #tpu.memory_space<hbm>>) target_semaphore(%arg8 : memref<!tpu.dma_semaphore, #tpu.memory_space<semaphore_mem>>)
    }
    %scan3A_172 = arith.constant 32 : i32
    %dma_wait3A = arith.constant 0 : i32
    %dma_wait3A_173 = tpu.memref_slice %arg4[%mul3A_2, %dma_wait3A] : memref<16384x256xf32, #tpu.memory_space<hbm>> -> memref<512x256xf32, #tpu.memory_space<hbm>>
    %dma_wait3A_174 = arith.constant 0 : i32
    %dma_wait3A_175 = tpu.memref_slice %arg4[%mul3A_2, %dma_wait3A_174] : memref<16384x256xf32, #tpu.memory_space<hbm>> -> memref<512x256xf32, #tpu.memory_space<hbm>>
    tpu.wait_dma2 semaphore(%arg8 : memref<!tpu.dma_semaphore, #tpu.memory_space<semaphore_mem>>) src(%dma_wait3A_175 : memref<512x256xf32, #tpu.memory_space<hbm>>) dst(%dma_wait3A_173 : memref<512x256xf32, #tpu.memory_space<hbm>>)
    return
  }
}

</mosaic_0001>

<sc_bundles>
// kernel: kernel.3.cloned.1.call-start
scs
__scs_entry_jumppad:
0x0: {  	(pc) =	sbr.rel $0x88, $3  }
0x1: {  	(tag) =	ssettag $0x0;
	lr =	simm.s32 $0x1  }
0x2: {  	[smem:$0x3F9F] =	sst lr;
	_ =	strace $0xD0000000  }
0x3: {  	_ = 	snop  }
0x4: {  	_ = 	snop  }
0x5: {  	_ = 	snop  }
0x6: {  	_ = 	snop  }
0x7: {  	_ = 	snop  }
__scs_overlays_trampoline_lowered:
0x8: {  	[smem:$0x3FAE] =	sst s0  }
0x9: {  	[smem:$0x3FAF] =	sst s1  }
0xa: {  	[smem:$0x3FB0] =	sst s2  }
0xb: {  	[smem:$0x3FB1] =	sst s3  }
0xc: {  	[smem:$0x3FB2] =	sst s4  }
0xd: {  	[smem:$0x3FB3] =	sst s5  }
0xe: {  	[smem:$0x3FB4] =	sst s6  }
0xf: {  	[smem:$0x3FB5] =	sst s7  }
0x10: {  	[smem:$0x3FB6] =	sst s8  }
0x11: {  	[smem:$0x3FB7] =	sst s9;
	s0 =	simm.s32 @!p0 $0x0  }
0x12: {  	s1 =	sld [smem:$0x3F9D];
	s0 =	simm.s32 @p0 $0x1  }
0x13: {  	[smem:$0x3FB8] =	sst s0;
	s0 =	simm.s32 @!p1 $0x0  }
0x14: {  	s2 =	sld [smem:$0x3F9C];
	s0 =	simm.s32 @p1 $0x1  }
0x15: {  	[smem:$0x3FB9] =	sst s0;
	s0 =	simm.s32 @!p2 $0x0  }
0x16: {  	s3 =	sld [smem:$0x3FDB];
	s0 =	simm.s32 @p2 $0x1  }
0x17: {  	s4 =	simm.s32 $0x1BF5;
	[smem:$0x3FBB] =	sst s0  }
0x18: {  	s0 =	sld [smem:$0x3F9E];
	_ =	swait.ge [sflag:s4], $0x0  }
0x19: {  	s7 =	sld [smem:$0x3F9F]  }
0x1a: {  	s8 =	sadd.s32 $0xFFFFE003, lr  }
0x1b: {  	s9 =	sadd.s32 $0xFFFFFEF7, lr;
	s5 =	simm.s32 $0xFFFFFFFF;
	p2 =	slt.u32 s8, $0xFFFFF086  }
0x1c: {  	p1 =	slt.u32 s9, $0xF7A;
	s5 =	simm.s32 @!p2 $0x0  }
0x1d: {  	s5 =	simm.s32 @p1 $0x1;
	p0 =	seq.s32 s7, s2  }
0x1e: {  	s7 =	smul.u32 @!p0 $0xF7A, s2;
	p2 =	seq.s32 @!p0 s5, $0x0  }
0x1f: {  	s9 =	smul.u32 $0xF7A, s1;
	s8 =	simm.s32 @!p0 $0x1BF5;
	p2 =	por !p2, p0  }
0x20: {  	[sflag:s8] =	ssyncset.s32 @!p0 $0xFFFFF086;
	s6 =	sadd.s32 @!p0 s3, s7;
	s7 =	simm.s32 @!p0 $0x108  }
0x21: {  	s3 =	sadd.s32 s3, s9;
	s6 =	sadd.s32 @!p0 $0x88, s6;
	s7 =	simm.s32 @p2 $0x1082  }
0x22: {  	[simem:s7], [sflag:s8] =	dma.local @!p0 [hbm:s6], $0xF7A  }
0x23: {  	s9 =	sor.u32 $0xD0000000, s2;
	s6 =	simm.s32 $0x108;
	_ =	swait.ge @!p0 [sflag:s8], $0x0  }
0x24: {  	s3 =	sadd.s32 $0x88, s3;
	s6 =	simm.s32 @!p1 $0x1082;
	[sflag:s4] =	ssyncset.s32 $0xFFFFF086  }
0x25: {  	[simem:s6], [sflag:s4] =	dma.local [hbm:s3], $0xF7A  }
0x26: {  	[smem:$0x3F9F] =	sst s1;
	(tag) =	ssettag s2;
	_ =	strace s9  }
0x27: {  	s1 =	sld [smem:$0x3FAF]  }
0x28: {  	s2 =	sld [smem:$0x3FB0]  }
0x29: {  	s4 =	sld [smem:$0x3FB2]  }
0x2a: {  	p0 =	seq.s32 s5, $0x0;
	s5 =	sld [smem:$0x3FB3]  }
0x2b: {  	s6 =	sld [smem:$0x3FB4]  }
0x2c: {  	s7 =	sld [smem:$0x3FB5]  }
0x2d: {  	s3 =	simm.s32 $0x108;
	s8 =	sld [smem:$0x3FB6]  }
0x2e: {  	s3 =	simm.s32 @!p0 $0x1082;
	s9 =	sld [smem:$0x3FB7]  }
0x2f: {  	lr =	sadd.s32 s0, s3;
	s0 =	sld [smem:$0x3FAE]  }
0x30: {  	s3 =	sld [smem:$0x3FB1]  }
0x31: {  	[smem:$0x3FBA] =	sst s10  }
0x32: {  	s10 =	sld [smem:$0x3FB8];
	_ =	sdelay $0x3  }
0x33: {  	p0 =	seq.s32 s10, $0x1;
	s10 =	sld [smem:$0x3FBA];
	_ =	sdelay $0x3  }
0x34: {  	[smem:$0x3FBA] =	sst s10  }
0x35: {  	s10 =	sld [smem:$0x3FB9];
	_ =	sdelay $0x3  }
0x36: {  	p1 =	seq.s32 s10, $0x1;
	s10 =	sld [smem:$0x3FBA];
	_ =	sdelay $0x3  }
0x37: {  	[smem:$0x3FBA] =	sst s10  }
0x38: {  	s10 =	sld [smem:$0x3FBB]  }
0x39: {  	_ = 	snop;
	(pc) =	sbr.ind lr, $3  }
0x3a: {  	_ = 	snop  }
0x3b: {  	_ = 	snop  }
0x3c: {  	p2 =	seq.s32 s10, $0x1;
	s10 =	sld [smem:$0x3FBA]  }
0x3d: {  	_ =	shalt  }
0x3e: {  	_ =	shalt  }
0x3f: {  	_ =	shalt  }
0x40: {  	_ =	shalt  }
0x41: {  	_ =	shalt  }
0x42: {  	_ =	shalt  }
0x43: {  	_ =	shalt  }
0x44: {  	_ =	shalt  }
0x45: {  	_ =	shalt  }
0x46: {  	_ =	shalt  }
0x47: {  	_ =	shalt  }
0x48: {  	_ =	shalt  }
0x49: {  	_ =	shalt  }
0x4a: {  	_ =	shalt  }
0x4b: {  	_ =	shalt  }
0x4c: {  	_ =	shalt  }
0x4d: {  	_ =	shalt  }
0x4e: {  	_ =	shalt  }
0x4f: {  	_ =	shalt  }
0x50: {  	_ =	shalt  }
0x51: {  	_ =	shalt  }
0x52: {  	_ =	shalt  }
0x53: {  	_ =	shalt  }
0x54: {  	_ =	shalt  }
0x55: {  	_ =	shalt  }
0x56: {  	_ =	shalt  }
0x57: {  	_ =	shalt  }
0x58: {  	_ =	shalt  }
0x59: {  	_ =	shalt  }
0x5a: {  	_ =	shalt  }
0x5b: {  	_ =	shalt  }
0x5c: {  	_ =	shalt  }
0x5d: {  	_ =	shalt  }
0x5e: {  	_ =	shalt  }
0x5f: {  	_ =	shalt  }
0x60: {  	_ =	shalt  }
0x61: {  	_ =	shalt  }
0x62: {  	_ =	shalt  }
0x63: {  	_ =	shalt  }
0x64: {  	_ =	shalt  }
0x65: {  	_ =	shalt  }
0x66: {  	_ =	shalt  }
0x67: {  	_ =	shalt  }
0x68: {  	_ =	shalt  }
0x69: {  	_ =	shalt  }
0x6a: {  	_ =	shalt  }
0x6b: {  	_ =	shalt  }
0x6c: {  	_ =	shalt  }
0x6d: {  	_ =	shalt  }
0x6e: {  	_ =	shalt  }
0x6f: {  	_ =	shalt  }
0x70: {  	_ =	shalt  }
0x71: {  	_ =	shalt  }
0x72: {  	_ =	shalt  }
0x73: {  	_ =	shalt  }
0x74: {  	_ =	shalt  }
0x75: {  	_ =	shalt  }
0x76: {  	_ =	shalt  }
0x77: {  	_ =	shalt  }
0x78: {  	_ =	shalt  }
0x79: {  	_ =	shalt  }
0x7a: {  	_ =	shalt  }
0x7b: {  	_ =	shalt  }
0x7c: {  	_ =	shalt  }
0x7d: {  	_ =	shalt  }
0x7e: {  	_ =	shalt  }
0x7f: {  	_ =	shalt  }
0x80: {  	_ =	shalt  }
0x81: {  	_ =	shalt  }
0x82: {  	_ =	shalt  }
0x83: {  	_ =	shalt  }
0x84: {  	_ =	shalt  }
0x85: {  	_ =	shalt  }
0x86: {  	_ =	shalt  }
0x87: {  	_ =	shalt  }
.Lfunc_end0:
.L_simem_size_0:
called_computation_lowered:
.L_overlay_start_0:
0x88: {  	s2 =	sld [smem:$0x3FD9]  }
0x89: {  	s3 =	sld [smem:$0x3FFE];
	_ =	sdelay $0x1  }
0x8a: {  	s1 =	srdreg.scid  }
0x8b: {  	s0 =	sand.u32 $0x1, s1  }
0x8c: {  	s17 =	sshll.u32 s0, $0xA;
	s2 =	sadd.s32 s3, s2  }
0x8d: {  	s2 =	sadd.s32 s2, s17  }
0x8e: {  	[smem:$0x3FC6] =	sst s2  }
0x8f: {  	_ = 	snop  }
0x90: {  	s2 =	sld [smem:$0x3FC8]  }
0x91: {  	s18 =	sld [smem:$0x3FD0];
	(tm) =	ssettm $0x1  }
0x92: {  	s4 =	sld [smem:$0x3FFB];
	_ =	sdelay $0x3  }
0x93: {  	_ =	strace s4  }
0x94: {  	s4 =	sld [smem:$0x3FFC];
	_ =	sdelay $0x3  }
0x95: {  	_ =	strace s4  }
0x96: {  	s4 =	sld [smem:$0x3FFD];
	_ =	sdelay $0x3  }
0x97: {  	_ =	strace s4  }
0x98: {  	_ =	strace $0x8FFFFFFF  }
0x99: {  	s19 =	sld [smem:$0x3FDB];
	_ =	sdelay $0x1  }
0x9a: {  	s5 =	simm.s32 $_scs_section_size  }
0x9b: {  	s6 =	simm.s32 $_size__tile_overlayer_lowered;
	s7 =	simm.s32 $_tile_overlayer_lowered  }
0x9c: {  	s22 =	simm.s32 $0x1BFF;
	s21 =	sshll.u32 s7, $0x1;
	s4 =	sadd.s32 s5, s19  }
0x9d: {  	s8 =	simm.s32 $0x0;
	s20 =	sshll.u32 s6, $0x1;
	s6 =	sadd.s32 s21, s4  }
0x9e: {  	[timem:s8], [sflag:s22] =	dma.local [hbm:s6], s20  }
0x9f: {  	_ =	swait.ge [sflag:s22], s20  }
0xa0: {  	s5 =	ssub.s32 $0x0, s20;
	[sflag:s22] =	ssyncset.done $0x0  }
0xa1: {  	[sflag:s22] =	ssyncadd.s32 s5;
	_ =	sdelay $0x1  }
0xa2: {  	s23 =	simm.s32 $0x1B8B  }
0xa3: {  	_ =	swait.ge [sflag:s23], $0x1  }
0xa4: {  	[sflag:s23] =	ssyncset.done $0x0  }
0xa5: {  	s25 =	simm.s32 $0x1B8E;
	s24 =	sld [smem:$0x3FFE];
	[sflag:s23] =	ssyncadd.s32 $0xFFFFFFFF  }
0xa6: {  	s26 =	simm.s32 $execute0_lowered;
	[smem:$0x3FD2] =	sst s25  }
0xa7: {  	s6 =	sshll.u32 s26, $0x1;
	_ =	strace $0x80000046;
	[dreg:$0x1] =	wrdreg $0xFFFFFFFF  }
0xa8: {  	s28 =	simm.s32 $_size_execute0_lowered;
	s4 =	sadd.s32 s4, s6;
	[dreg:$0x0] =	wrdreg $0x0  }
0xa9: {  	s6 =	sshll.u32 s28, $0x1;
	[dreg:$0x2] =	wrdreg s4  }
0xaa: {  	[dreg:$0x3] =	wrdreg s6  }
0xab: {  	[dreg:$0x4] =	wrdreg $0xC0  }
0xac: {  	_ =	task [dreg:s8], $0x5FFFF  }
0xad: {  	[dreg:$0x1] =	wrdreg $0xFFFFFFFF  }
0xae: {  	[dreg:$0x0] =	wrdreg $0x60  }
0xaf: {  	[dreg:$0x2] =	wrdreg s24  }
0xb0: {  	[dreg:$0x3] =	wrdreg s2  }
0xb1: {  	[dreg:$0x4] =	wrdreg s18  }
0xb2: {  	[dreg:$0x5] =	wrdreg $0x9  }
0xb3: {  	_ =	task.clear_ibuf [dreg:s8], $0x6FFFF;
	_ =	strace $0x90000046  }
0xb4: {  	s29 =	simm.s32 $0x9;
	_ =	strace $0x80000048  }
0xb5: {  	_ =	swait.ge [sflag:s29], $0x1  }
0xb6: {  	[sflag:s29] =	ssyncadd.s32 $0xFFFFFFFF  }
0xb7: {  	_ =	strace $0x90000048  }
0xb8: {  	_ =	sfence  }
0xb9: {  	s30 =	sld [smem:$0x0];
	_ =	sdelay $0x2  }
0xba: {  	s31 =	sshll.u32 s1, $0xD;
	s1 =	sshrl.u32 s1, $0x2  }
0xbb: {  	s3 =	sand.u32 $0x4000, s31;
	s1 =	sadd.s32 s1, s30  }
0xbc: {  	s0 =	sor.u32 s3, s0;
	s1 =	sshll.u32 s1, $0x11  }
0xbd: {  	s0 =	sor.u32 s1, s0  }
0xbe: {  	s0 =	sadd.s32 $0x8F2B, s0  }
0xbf: {  	[sflag:s0] =	ssyncadd.remote.s32 $0x1  }
0xc0: {  	_ =	sfence.sel $0xFFFF  }
0xc1: {  	[dreg:$0x0] =	wrdreg $0xFFFFFFFF;
	(pc) =	sbr.abs _section_cstart, $3  }
0xc2: {  	[dreg:$0x1] =	wrdreg $0xFFFFFFFF  }
0xc3: {  	_ =	task.clear_ibuf [dreg:s8], $0x2FFFF;
	_ =	strace $0x9FFFFFFF  }
0xc4: {  	(tm) =	ssettm $0x7FFFFFFF  }
0xc5: {  	_ =	shalt  }
tec
execute0_lowered:
.L_overlay_start_1:
0x0: {  	(tag) =	ssettag $0x1  }
0x1: {  	s0 =	rddreg [dreg:$0x0]  }
0x2: {  	s1 =	rddreg [dreg:$0x2]  }
0x3: {  	s3 =	simm.s32 $0x0;
	s2 =	srdreg.scid;
	s8 =	stileid.u32  }
0x4: {  	s10 =	simm.s32 $0x1;
	s11 =	simm.s32 $0x0;
	s2 =	sand.u32 $0x1, s2  }
0x5: {  	[smem:$0x7FF] =	sst s3;
	s4 =	sshll.u32 s8, $0x8;
	s5 =	sshll.u32 s2, $0x7  }
0x6: {  	s7 =	sshll.u32 s8, $0xA;
	s31 =	sshll.u32 s8, $0xF;
	s4 =	sor.u32 s5, s4  }
0x7: {  	_ =	strace $0x80000047;
	s6 =	ssub.s32 $0x2, s2;
	s4 =	sor.u32 s4, s7  }
0x8: {  	s1 =	sadd.s32 s31, s1;
	s2 =	sshll.u32 s2, $0xE;
	s4 =	sand.u32 $0x3380, s4  }
0x9: {  	s30 =	sshrl.u32 s6, $0x1;
	s1 =	sadd.s32 s2, s1;
	s4 =	sshrl.u32 s4, $0x3  }
0xa: {  	s5 =	ssub.s32 s6, s30;
	[dreg:$0x4] =	wrdreg s1;
	s0 =	sadd.s32 s0, s4  }
0xb: {  	s7 =	simm.s32 $0x2;
	s5 =	smax.u32 s5, $0x1;
	[dreg:$0x5] =	wrdreg s0  }
.LBB2_1:
0xc: {  	s0 =	rddreg [dreg:$0x1];
	s1 =	simm.s32 $0x280  }
0xd: {  	[tilespmem:s1], [sflag:$0x2] =	stream.linear.gather [hbm4b:s0+s3], $0x200, $0x38;
	[tilespmem:$0xC80] =	vst v63  }
0xe: {  	_ =	swait.ge [sflag:s7], $0x200  }
0xf: {  	s28 =	simm.s32 $0x80;
	[sflag:s7] =	ssyncset.done $0x0  }
0x10: {  	s2 =	simm.s32 $0x400;
	s26 =	rddreg [dreg:$0x5];
	[sflag:s7] =	ssyncadd.s32 $0xFFFFFE00  }
0x11: {  	[tilespmem:s3], [sflag:$0x2] =	stream.strided.gather [hbm4b:s26+s28], $0x200, s2, s28, $0x38;
	[tilespmem:$0xC80] =	vst v63  }
0x12: {  	_ =	swait.ge [sflag:s7], $0x200  }
0x13: {  	[sflag:s7] =	ssyncset.done $0x0  }
0x14: {  	[sflag:s7] =	ssyncadd.s32 $0xFFFFFE00  }
0x15: {  	v14 =	vld [tilespmem:$0x280]  }
0x16: {  	v13 =	vld [tilespmem:$0x290]  }
0x17: {  	v12 =	vld [tilespmem:$0x2A0]  }
0x18: {  	v11 =	vld [tilespmem:$0x2B0]  }
0x19: {  	v10 =	vld [tilespmem:$0x2C0]  }
0x1a: {  	v9 =	vld [tilespmem:$0x2D0]  }
0x1b: {  	v8 =	vld [tilespmem:$0x2E0]  }
0x1c: {  	v7 =	vld [tilespmem:$0x2F0]  }
0x1d: {  	v6 =	vld [tilespmem:$0x380]  }
0x1e: {  	v5 =	vld [tilespmem:$0x390]  }
0x1f: {  	v4 =	vld [tilespmem:$0x3A0]  }
0x20: {  	v3 =	vld [tilespmem:$0x3B0]  }
0x21: {  	v2 =	vld [tilespmem:$0x3C0]  }
0x22: {  	v1 =	vld [tilespmem:$0x3D0]  }
0x23: {  	v0 =	vld [tilespmem:$0x3E0]  }
0x24: {  	v30 =	vld [tilespmem:$0x3F0]  }
0x25: {  	v29 =	vld [tilespmem:$0x300]  }
0x26: {  	v28 =	vld [tilespmem:$0x310]  }
0x27: {  	v27 =	vld [tilespmem:$0x320]  }
0x28: {  	v26 =	vld [tilespmem:$0x330]  }
0x29: {  	v25 =	vld [tilespmem:$0x340]  }
0x2a: {  	v24 =	vld [tilespmem:$0x350]  }
0x2b: {  	v23 =	vld [tilespmem:$0x360]  }
0x2c: {  	v22 =	vld [tilespmem:$0x370]  }
0x2d: {  	v17 =	vld [tilespmem:$0x400]  }
0x2e: {  	v31 =	vld [tilespmem:$0x470]  }
0x2f: {  	s29 =	sand.u32 $0x1, s3;
	s30 =	simm.s32 $0x0;
	v15 =	vld [tilespmem:$0x410]  }
0x30: {  	s0 =	sshll.u32 s30, s29;
	v16 =	vld [tilespmem:$0x420]  }
0x31: {  	s0 =	sand.u32 $0x2, s0;
	v18 =	vld [tilespmem:$0x430]  }
0x32: {  	p0 =	seq.s32 s0, $0x0;
	v19 =	vld [tilespmem:$0x440]  }
0x33: {  	s12 =	simm.s32 $0x880;
	v20 =	vld [tilespmem:$0x450];
	v32 =	vpsel p0, v30, v31  }
0x34: {  	v21 =	vld [tilespmem:$0x460];
	v33 =	vpsel p0, v14, v29;
	[tilespmem:s12+$0x70] =	vst v32  }
0x35: {  	v55 =	vpsel p0, v13, v28;
	[tilespmem:s12+$0xFFFFFC00] =	vst v33  }
0x36: {  	v56 =	vpsel p0, v12, v27;
	[tilespmem:s12+$0xFFFFFC10] =	vst v55  }
0x37: {  	v57 =	vpsel p0, v11, v26;
	[tilespmem:s12+$0xFFFFFC20] =	vst v56  }
0x38: {  	v58 =	vpsel p0, v10, v25;
	[tilespmem:s12+$0xFFFFFC30] =	vst v57  }
0x39: {  	v59 =	vpsel p0, v9, v24;
	[tilespmem:s12+$0xFFFFFC40] =	vst v58  }
0x3a: {  	v60 =	vpsel p0, v8, v23;
	[tilespmem:s12+$0xFFFFFC50] =	vst v59  }
0x3b: {  	v61 =	vpsel p0, v7, v22;
	[tilespmem:s12+$0xFFFFFC60] =	vst v60  }
0x3c: {  	v62 =	vpsel p0, v6, v17;
	[tilespmem:s12+$0xFFFFFC70] =	vst v61  }
0x3d: {  	v63 =	vpsel p0, v5, v15;
	[tilespmem:s12+$0x0] =	vst v62  }
0x3e: {  	s31 =	simm.s32 $0x1;
	v36 =	vpsel p0, v4, v16;
	v35 =	vpsel p0, v3, v18;
	[tilespmem:s12+$0x10] =	vst v63  }
0x3f: {  	s1 =	sand.u32 $0x1, s31;
	s0 =	simm.s32 $0x2;
	s2 =	simm.s32 $0x0;
	v34 =	vpsel p0, v2, v19;
	v33 =	vpsel p0, v1, v20;
	v32 =	vpsel p0, v0, v21;
	[tilespmem:s12+$0x20] =	vst v36  }
.LBB2_2:
0x40: {  	p0 =	sne.s32 s0, $0x7;
	s1 =	sshll.u32 s2, s1;
	[tilespmem:s12+$0x30] =	vst v35  }
0x41: {  	s1 =	sand.u32 $0x2, s1;
	[tilespmem:s12+$0x40] =	vst v34  }
0x42: {  	p1 =	seq.s32 s1, $0x0;
	[tilespmem:s12+$0x50] =	vst v33  }
0x43: {  	v33 =	vpsel p1, v14, v29;
	v34 =	vpsel p1, v13, v28;
	v35 =	vpsel p1, v30, v31;
	[tilespmem:s12+$0x60] =	vst v32;
	s12 =	sadd.s32 $0x80, s12  }
0x44: {  	v32 =	vpsel p1, v12, v27;
	v36 =	vpsel p1, v11, v26;
	v37 =	vpsel p1, v10, v25;
	[tilespmem:s12+$0x70] =	vst v35  }
0x45: {  	v38 =	vpsel p1, v9, v24;
	v39 =	vpsel p1, v8, v23;
	v40 =	vpsel p1, v7, v22;
	[tilespmem:s12+$0xFFFFFC00] =	vst v33  }
0x46: {  	v41 =	vpsel p1, v6, v17;
	v42 =	vpsel p1, v5, v15;
	v43 =	vpsel p1, v4, v16;
	[tilespmem:s12+$0xFFFFFC10] =	vst v34  }
0x47: {  	v35 =	vpsel p1, v3, v18;
	v33 =	vpsel p1, v1, v20;
	v34 =	vpsel p1, v2, v19;
	[tilespmem:s12+$0xFFFFFC20] =	vst v32  }
0x48: {  	v32 =	vpsel p1, v0, v21;
	[tilespmem:s12+$0xFFFFFC30] =	vst v36  }
0x49: {  	[tilespmem:s12+$0xFFFFFC40] =	vst v37  }
0x4a: {  	[tilespmem:s12+$0xFFFFFC50] =	vst v38  }
.Ltmp0:
0x4b: {  	[tilespmem:s12+$0xFFFFFC60] =	vst v39;
	(pc) =	sbr.rel @p0 .LBB2_2-.Ltmp0, $4  }
0x4c: {  	[tilespmem:s12+$0xFFFFFC70] =	vst v40  }
0x4d: {  	[tilespmem:s12+$0x0] =	vst v41  }
0x4e: {  	[tilespmem:s12+$0x10] =	vst v42  }
0x4f: {  	s2 =	sshrl.u32 s0, $0x1;
	s1 =	sand.u32 $0x1, s0;
	s0 =	sadd.s32 $0x1, s0;
	[tilespmem:s12+$0x20] =	vst v43  }
0x50: {  	s0 =	sshll.u32 s2, s1;
	[tilespmem:s12+$0x30] =	vst v35  }
0x51: {  	[tilespmem:s12+$0x40] =	vst v34;
	s0 =	sand.u32 $0x2, s0  }
0x52: {  	[tilespmem:s12+$0x50] =	vst v33;
	p0 =	seq.s32 s0, $0x0  }
0x53: {  	[tilespmem:s12+$0x60] =	vst v32;
	s25 =	sadd.s32 $0x80, s12;
	v30 =	vpsel p0, v30, v31  }
0x54: {  	v14 =	vpsel p0, v14, v29;
	[tilespmem:s25+$0x70] =	vst v30  }
0x55: {  	v13 =	vpsel p0, v13, v28;
	[tilespmem:s25+$0xFFFFFC00] =	vst v14  }
0x56: {  	v12 =	vpsel p0, v12, v27;
	[tilespmem:s25+$0xFFFFFC10] =	vst v13  }
0x57: {  	v11 =	vpsel p0, v11, v26;
	[tilespmem:s25+$0xFFFFFC20] =	vst v12  }
0x58: {  	v10 =	vpsel p0, v10, v25;
	[tilespmem:s25+$0xFFFFFC30] =	vst v11  }
0x59: {  	v9 =	vpsel p0, v9, v24;
	[tilespmem:s25+$0xFFFFFC40] =	vst v10  }
0x5a: {  	v8 =	vpsel p0, v8, v23;
	[tilespmem:s25+$0xFFFFFC50] =	vst v9  }
0x5b: {  	v7 =	vpsel p0, v7, v22;
	[tilespmem:s25+$0xFFFFFC60] =	vst v8  }
0x5c: {  	v6 =	vpsel p0, v6, v17;
	[tilespmem:s25+$0xFFFFFC70] =	vst v7  }
0x5d: {  	v5 =	vpsel p0, v5, v15;
	[tilespmem:s25+$0x0] =	vst v6  }
0x5e: {  	v4 =	vpsel p0, v4, v16;
	[tilespmem:s25+$0x10] =	vst v5  }
0x5f: {  	v3 =	vpsel p0, v3, v18;
	[tilespmem:s25+$0x20] =	vst v4  }
0x60: {  	v2 =	vpsel p0, v2, v19;
	[tilespmem:s25+$0x30] =	vst v3  }
0x61: {  	v1 =	vpsel p0, v1, v20;
	[tilespmem:s25+$0x40] =	vst v2  }
0x62: {  	v0 =	vpsel p0, v0, v21;
	[tilespmem:s25+$0x50] =	vst v1  }
0x63: {  	s26 =	simm.s32 $0x0;
	[tilespmem:s25+$0x60] =	vst v0  }
0x64: {  	v0 =	vld [tilespmem:s26+$0x0];
	_ =	sdelay $0x4  }
0x65: {  	v63 =	vshll.u32 v0, $0x1  }
0x66: {  	(v2sf) =	vpush v63, $0xD  }
0x67: {  	v0 =	vshll.u32 v0, $0x2;
	(v2sf) =	vpush v63, $0xB  }
0x68: {  	(v2sf) =	vpush v0, $0x8  }
0x69: {  	(v2sf) =	vpush v63, $0x9  }
0x6a: {  	(v2sf) =	vpush v63, $0xF  }
0x6b: {  	(v2sf) =	vpush v63, $0x7  }
0x6c: {  	(v2sf) =	vpush v0, $0x4  }
0x6d: {  	(v2sf) =	vpush v0, $0x6  }
0x6e: {  	(v2sf) =	vpush v0, $0x2  }
0x6f: {  	(v2sf) =	vpush v63, $0x5  }
0x70: {  	(v2sf) =	vpush v63, $0x3  }
0x71: {  	(v2sf) =	vpush v0, $0x0  }
0x72: {  	(v2sf) =	vpush v63, $0x1;
	_ =	sdelay $0x1  }
0x73: {  	s1 =	rddreg [dreg:$0x4];
	(v2sf) =	vpush v0, $0xE  }
0x74: {  	s13 =	simm.s32 $0x200;
	s12 =	sadd.s32 $0x0, s1;
	s16 =	spop (v2sf)  }
0x75: {  	s14 =	simm.s32 $0x10;
	s17 =	sadd.s32 $0x40, s12;
	s20 =	spop (v2sf)  }
0x76: {  	s22 =	sadd.s32 $0x20, s12;
	s18 =	sadd.s32 $0xC0, s12;
	s2 =	spop (v2sf)  }
0x77: {  	s15 =	sadd.s32 $0x180, s12;
	s19 =	sadd.s32 $0x100, s12;
	s4 =	spop (v2sf)  }
0x78: {  	s29 =	sadd.s32 $0xE0, s12;
	s25 =	sadd.s32 $0x80, s12;
	s23 =	spop (v2sf)  }
0x79: {  	s26 =	sadd.s32 $0x60, s12;
	s0 =	sadd.s32 s4, s2;
	s6 =	spop (v2sf)  }
0x7a: {  	s1 =	sshll.u32 s0, $0x8;
	s0 =	sshll.u32 s0, $0x7;
	s4 =	spop (v2sf)  }
0x7b: {  	s1 =	sand.u32 $0xFFFFF800, s1;
	s0 =	sand.u32 $0x300, s0;
	s8 =	spop (v2sf)  }
0x7c: {  	s24 =	sor.u32 s0, s1;
	s0 =	sadd.s32 s6, s8;
	s9 =	spop (v2sf)  }
0x7d: {  	s21 =	sadd.s32 $0x880, s24;
	s2 =	sshll.u32 s0, $0x8;
	s6 =	spop (v2sf)  }
0x7e: {  	s30 =	sshll.u32 s0, $0x7;
	s28 =	sadd.s32 s6, s4;
	s8 =	spop (v2sf)  }
0x7f: {  	s0 =	sand.u32 $0xFFFFF800, s2;
	s1 =	sadd.s32 s8, s9;
	s9 =	spop (v2sf)  }
0x80: {  	s2 =	sshll.u32 s28, $0x8;
	s6 =	sshll.u32 s1, $0x8;
	s8 =	spop (v2sf)  }
0x81: {  	s1 =	sshll.u32 s1, $0x7;
	s4 =	sadd.s32 s8, s9;
	s6 =	sand.u32 $0xFFFFF800, s6  }
0x82: {  	(v2sf) =	vpush v0, $0xA;
	s8 =	sand.u32 $0x300, s1;
	s31 =	spop (v2sf);
	s1 =	sshll.u32 s4, $0x8  }
0x83: {  	(v2sf) =	vpush v0, $0xC;
	s9 =	sshll.u32 s4, $0x7;
	s4 =	sand.u32 $0xFFFFF800, s1;
	s1 =	sadd.s32 $0xA0, s12  }
.LBB2_4:
0x84: {  	_ = 	snop  }
0x85: {  	s9 =	sand.u32 $0x300, s9  }
0x86: {  	s6 =	sor.u32 s8, s6;
	s8 =	sshll.u32 s28, $0x7;
	s4 =	sor.u32 s9, s4  }
0x87: {  	s2 =	sand.u32 $0xFFFFF800, s2;
	s8 =	sand.u32 $0x300, s8;
	s9 =	sor.u32 $0x480, s4  }
0x88: {  	[hbm4b:s12+s3] =	stream.linear.scatter [tilespmem:s9], [sflag:$0x1], $0x100, $0x38;
	[tilespmem:$0xC80] =	vst v63  }
0x89: {  	s2 =	sor.u32 s8, s2;
	s8 =	sand.u32 $0x300, s30;
	s4 =	sadd.s32 $0x880, s4  }
0x8a: {  	[hbm4b:s25+s3] =	stream.linear.scatter [tilespmem:s4], [sflag:$0x1], $0x100, $0x38;
	[tilespmem:$0xC80] =	vst v63  }
0x8b: {  	s0 =	sor.u32 s8, s0;
	s8 =	sadd.s32 s23, s31;
	s23 =	sor.u32 $0x480, s6  }
0x8c: {  	[hbm4b:s22+s3] =	stream.linear.scatter [tilespmem:s23], [sflag:$0x1], $0x100, $0x38;
	[tilespmem:$0xC80] =	vst v63  }
0x8d: {  	s6 =	sadd.s32 $0x880, s6  }
0x8e: {  	[hbm4b:s1+s3] =	stream.linear.scatter [tilespmem:s6], [sflag:$0x1], $0x100, $0x38;
	[tilespmem:$0xC80] =	vst v63  }
0x8f: {  	s9 =	sshll.u32 s8, $0x8;
	s23 =	sor.u32 $0x480, s2  }
0x90: {  	[hbm4b:s17+s3] =	stream.linear.scatter [tilespmem:s23], [sflag:$0x1], $0x100, $0x38;
	[tilespmem:$0xC80] =	vst v63  }
0x91: {  	s2 =	sadd.s32 $0x880, s2;
	s23 =	sor.u32 $0x480, s0;
	s25 =	spop (v2sf)  }
0x92: {  	[hbm4b:s18+s3] =	stream.linear.scatter [tilespmem:s2], [sflag:$0x1], $0x100, $0x38;
	[tilespmem:$0xC80] =	vst v63  }
0x93: {  	s0 =	sadd.s32 $0x880, s0;
	s18 =	sshll.u32 s8, $0x7;
	s22 =	sadd.s32 s20, s25  }
0x94: {  	s20 =	spop (v2sf);
	s25 =	sshll.u32 s22, $0x8;
	s6 =	sshll.u32 s22, $0x7  }
0x95: {  	[hbm4b:s26+s3] =	stream.linear.scatter [tilespmem:s23], [sflag:$0x1], $0x100, $0x38;
	[tilespmem:$0xC80] =	vst v63  }
0x96: {  	s23 =	sadd.s32 $0x140, s12;
	s17 =	sand.u32 $0xFFFFF800, s25;
	s22 =	sand.u32 $0x300, s6  }
0x97: {  	[hbm4b:s29+s3] =	stream.linear.scatter [tilespmem:s0], [sflag:$0x1], $0x100, $0x38;
	[tilespmem:$0xC80] =	vst v63  }
0x98: {  	s25 =	sadd.s32 s16, s20;
	s6 =	sor.u32 $0x480, s24;
	s20 =	sadd.s32 $0x120, s12  }
0x99: {  	[hbm4b:s19+s3] =	stream.linear.scatter [tilespmem:s6], [sflag:$0x1], $0x100, $0x38;
	[tilespmem:$0xC80] =	vst v63  }
0x9a: {  	s2 =	sor.u32 s22, s17;
	s26 =	sshll.u32 s25, $0x8;
	s4 =	sshll.u32 s25, $0x7  }
0x9b: {  	[hbm4b:s15+s3] =	stream.linear.scatter [tilespmem:s21], [sflag:$0x1], $0x100, $0x38;
	[tilespmem:$0xC80] =	vst v63  }
0x9c: {  	s1 =	sand.u32 $0xFFFFF800, s26;
	s4 =	sand.u32 $0x300, s4;
	s19 =	sor.u32 $0x480, s2  }
0x9d: {  	[hbm4b:s20+s3] =	stream.linear.scatter [tilespmem:s19], [sflag:$0x1], $0x100, $0x38;
	[tilespmem:$0xC80] =	vst v63  }
0x9e: {  	s16 =	sor.u32 s4, s1;
	s2 =	sadd.s32 $0x880, s2;
	s21 =	sadd.s32 $0x1A0, s12  }
0x9f: {  	[hbm4b:s21+s3] =	stream.linear.scatter [tilespmem:s2], [sflag:$0x1], $0x100, $0x38;
	[tilespmem:$0xC80] =	vst v63  }
0xa0: {  	s17 =	sand.u32 $0xFFFFF800, s9;
	s4 =	sand.u32 $0x300, s18;
	s22 =	sor.u32 $0x480, s16  }
0xa1: {  	[hbm4b:s23+s3] =	stream.linear.scatter [tilespmem:s22], [sflag:$0x1], $0x100, $0x38;
	[tilespmem:$0xC80] =	vst v63  }
0xa2: {  	s24 =	sadd.s32 $0x1C0, s12;
	s1 =	sor.u32 s4, s17;
	s0 =	sadd.s32 $0x880, s16  }
0xa3: {  	[hbm4b:s24+s3] =	stream.linear.scatter [tilespmem:s0], [sflag:$0x1], $0x100, $0x38;
	[tilespmem:$0xC80] =	vst v63  }
0xa4: {  	s26 =	sadd.s32 $0x160, s12;
	s25 =	sor.u32 $0x480, s1  }
0xa5: {  	[hbm4b:s26+s3] =	stream.linear.scatter [tilespmem:s25], [sflag:$0x1], $0x100, $0x38;
	[tilespmem:$0xC80] =	vst v63  }
0xa6: {  	s6 =	sadd.s32 $0x1E0, s12;
	s4 =	sadd.s32 $0x880, s1  }
0xa7: {  	[hbm4b:s6+s3] =	stream.linear.scatter [tilespmem:s4], [sflag:$0x1], $0x100, $0x38;
	[tilespmem:$0xC80] =	vst v63  }
0xa8: {  	v0 =	vld [tilespmem:s14+$0x0];
	_ =	sdelay $0x4  }
0xa9: {  	v1 =	vshll.u32 v0, $0x1  }
0xaa: {  	(v2sf) =	vpush v1, $0xD  }
0xab: {  	v0 =	vshll.u32 v0, $0x2;
	(v2sf) =	vpush v1, $0xB  }
0xac: {  	(v2sf) =	vpush v0, $0x8  }
0xad: {  	(v2sf) =	vpush v1, $0x9  }
0xae: {  	(v2sf) =	vpush v1, $0xF  }
0xaf: {  	(v2sf) =	vpush v1, $0x7  }
0xb0: {  	(v2sf) =	vpush v0, $0x4  }
0xb1: {  	(v2sf) =	vpush v0, $0x6  }
0xb2: {  	(v2sf) =	vpush v0, $0x2  }
0xb3: {  	(v2sf) =	vpush v1, $0x5  }
0xb4: {  	(v2sf) =	vpush v1, $0x3  }
0xb5: {  	(v2sf) =	vpush v0, $0x0  }
0xb6: {  	(v2sf) =	vpush v1, $0x1  }
0xb7: {  	s28 =	smov.u32 s13;
	s8 =	rddreg [dreg:$0x4]  }
0xb8: {  	p0 =	sne.s32 s13, $0x3E00;
	s12 =	sadd.s32 s28, s8;
	(v2sf) =	vpush v0, $0xE  }
0xb9: {  	s13 =	sadd.s32 $0x200, s13;
	s17 =	sadd.s32 $0x40, s12;
	s16 =	spop (v2sf)  }
0xba: {  	s18 =	sadd.s32 $0xC0, s12;
	s15 =	sadd.s32 $0x180, s12;
	s20 =	spop (v2sf)  }
0xbb: {  	s29 =	sadd.s32 $0xE0, s12;
	s22 =	sadd.s32 $0x20, s12;
	s9 =	spop (v2sf)  }
0xbc: {  	s25 =	sadd.s32 $0x80, s12;
	s26 =	sadd.s32 $0x60, s12;
	s19 =	spop (v2sf)  }
0xbd: {  	s14 =	sadd.s32 $0x10, s14;
	s0 =	sadd.s32 s19, s9;
	s23 =	spop (v2sf)  }
0xbe: {  	s1 =	sshll.u32 s0, $0x8;
	s0 =	sshll.u32 s0, $0x7;
	s21 =	spop (v2sf)  }
0xbf: {  	s1 =	sand.u32 $0xFFFFF800, s1;
	s0 =	sand.u32 $0x300, s0;
	s4 =	spop (v2sf)  }
0xc0: {  	s19 =	sadd.s32 $0x100, s12;
	s24 =	sor.u32 s0, s1;
	s6 =	spop (v2sf)  }
0xc1: {  	s0 =	sadd.s32 s21, s6;
	s21 =	sadd.s32 $0x880, s24;
	s8 =	spop (v2sf)  }
0xc2: {  	s2 =	sshll.u32 s0, $0x8;
	s30 =	sshll.u32 s0, $0x7;
	s9 =	spop (v2sf)  }
0xc3: {  	s28 =	sadd.s32 s9, s4;
	s0 =	sand.u32 $0xFFFFF800, s2;
	s6 =	spop (v2sf)  }
.Ltmp1:
0xc4: {  	s1 =	sadd.s32 s6, s8;
	s8 =	spop (v2sf);
	(pc) =	sbr.rel @p0 .LBB2_4-.Ltmp1, $4  }
0xc5: {  	s2 =	sshll.u32 s28, $0x8;
	s6 =	sshll.u32 s1, $0x8;
	s9 =	spop (v2sf)  }
0xc6: {  	s1 =	sshll.u32 s1, $0x7;
	s4 =	sadd.s32 s9, s8;
	s6 =	sand.u32 $0xFFFFF800, s6  }
0xc7: {  	(v2sf) =	vpush v0, $0xA;
	s8 =	sand.u32 $0x300, s1;
	s31 =	spop (v2sf);
	s1 =	sshll.u32 s4, $0x8  }
0xc8: {  	(v2sf) =	vpush v0, $0xC;
	s9 =	sshll.u32 s4, $0x7;
	s4 =	sand.u32 $0xFFFFF800, s1;
	s1 =	sadd.s32 $0xA0, s12  }
0xc9: {  	s9 =	sand.u32 $0x300, s9  }
0xca: {  	s4 =	sor.u32 s9, s4  }
0xcb: {  	s9 =	sor.u32 $0x480, s4  }
0xcc: {  	[hbm4b:s12+s3] =	stream.linear.scatter [tilespmem:s9], [sflag:$0x1], $0x100, $0x38;
	[tilespmem:$0xC80] =	vst v63  }
0xcd: {  	s4 =	sadd.s32 $0x880, s4  }
0xce: {  	[hbm4b:s25+s3] =	stream.linear.scatter [tilespmem:s4], [sflag:$0x1], $0x100, $0x38;
	[tilespmem:$0xC80] =	vst v63  }
0xcf: {  	s25 =	sor.u32 s8, s6  }
0xd0: {  	s6 =	sor.u32 $0x480, s25  }
0xd1: {  	[hbm4b:s22+s3] =	stream.linear.scatter [tilespmem:s6], [sflag:$0x1], $0x100, $0x38;
	[tilespmem:$0xC80] =	vst v63  }
0xd2: {  	s8 =	sshll.u32 s28, $0x7;
	s4 =	sadd.s32 $0x880, s25  }
0xd3: {  	[hbm4b:s1+s3] =	stream.linear.scatter [tilespmem:s4], [sflag:$0x1], $0x100, $0x38;
	[tilespmem:$0xC80] =	vst v63  }
0xd4: {  	s2 =	sand.u32 $0xFFFFF800, s2;
	s1 =	sand.u32 $0x300, s8  }
0xd5: {  	s1 =	sor.u32 s1, s2  }
0xd6: {  	s9 =	sand.u32 $0x300, s30;
	s2 =	sor.u32 $0x480, s1  }
0xd7: {  	[hbm4b:s17+s3] =	stream.linear.scatter [tilespmem:s2], [sflag:$0x1], $0x100, $0x38;
	[tilespmem:$0xC80] =	vst v63  }
0xd8: {  	s0 =	sor.u32 s9, s0;
	s1 =	sadd.s32 $0x880, s1  }
0xd9: {  	[hbm4b:s18+s3] =	stream.linear.scatter [tilespmem:s1], [sflag:$0x1], $0x100, $0x38;
	[tilespmem:$0xC80] =	vst v63  }
0xda: {  	s1 =	sor.u32 $0x480, s0  }
0xdb: {  	[hbm4b:s26+s3] =	stream.linear.scatter [tilespmem:s1], [sflag:$0x1], $0x100, $0x38;
	[tilespmem:$0xC80] =	vst v63  }
0xdc: {  	s14 =	spop (v2sf);
	s0 =	sadd.s32 $0x880, s0  }
0xdd: {  	[hbm4b:s29+s3] =	stream.linear.scatter [tilespmem:s0], [sflag:$0x1], $0x100, $0x38;
	[tilespmem:$0xC80] =	vst v63  }
0xde: {  	s0 =	sadd.s32 s20, s14  }
0xdf: {  	s13 =	sor.u32 $0x480, s24;
	s17 =	sshll.u32 s0, $0x8;
	s0 =	sshll.u32 s0, $0x7  }
0xe0: {  	[hbm4b:s19+s3] =	stream.linear.scatter [tilespmem:s13], [sflag:$0x1], $0x100, $0x38;
	[tilespmem:$0xC80] =	vst v63  }
0xe1: {  	s1 =	sand.u32 $0xFFFFF800, s17;
	s0 =	sand.u32 $0x300, s0  }
0xe2: {  	s24 =	sadd.s32 $0x140, s12;
	s0 =	sor.u32 s0, s1  }
0xe3: {  	[hbm4b:s15+s3] =	stream.linear.scatter [tilespmem:s21], [sflag:$0x1], $0x100, $0x38;
	[tilespmem:$0xC80] =	vst v63  }
0xe4: {  	s18 =	sadd.s32 $0x120, s12;
	s19 =	spop (v2sf);
	s1 =	sor.u32 $0x480, s0  }
0xe5: {  	[hbm4b:s18+s3] =	stream.linear.scatter [tilespmem:s1], [sflag:$0x1], $0x100, $0x38;
	[tilespmem:$0xC80] =	vst v63  }
0xe6: {  	s11 =	sadd.s32 $0x1, s11;
	s25 =	sadd.s32 s23, s31;
	s1 =	sadd.s32 s16, s19  }
0xe7: {  	s0 =	sadd.s32 $0x880, s0;
	s20 =	sshll.u32 s1, $0x8;
	s1 =	sshll.u32 s1, $0x7  }
0xe8: {  	s21 =	sadd.s32 $0x1A0, s12;
	s2 =	sand.u32 $0xFFFFF800, s20;
	s1 =	sand.u32 $0x300, s1  }
0xe9: {  	[hbm4b:s21+s3] =	stream.linear.scatter [tilespmem:s0], [sflag:$0x1], $0x100, $0x38;
	[tilespmem:$0xC80] =	vst v63  }
0xea: {  	s26 =	sshll.u32 s25, $0x8;
	s0 =	sshll.u32 s25, $0x7;
	s1 =	sor.u32 s1, s2  }
0xeb: {  	s2 =	sand.u32 $0xFFFFF800, s26;
	s0 =	sand.u32 $0x300, s0;
	s22 =	sor.u32 $0x480, s1  }
0xec: {  	[hbm4b:s24+s3] =	stream.linear.scatter [tilespmem:s22], [sflag:$0x1], $0x100, $0x38;
	[tilespmem:$0xC80] =	vst v63  }
0xed: {  	s28 =	sadd.s32 $0x1C0, s12;
	s0 =	sor.u32 s0, s2;
	s1 =	sadd.s32 $0x880, s1  }
0xee: {  	[hbm4b:s28+s3] =	stream.linear.scatter [tilespmem:s1], [sflag:$0x1], $0x100, $0x38;
	[tilespmem:$0xC80] =	vst v63  }
0xef: {  	p0 =	sne.s32 s11, s5;
	s30 =	sadd.s32 $0x160, s12;
	s29 =	sor.u32 $0x480, s0  }
0xf0: {  	[hbm4b:s30+s3] =	stream.linear.scatter [tilespmem:s29], [sflag:$0x1], $0x100, $0x38;
	[tilespmem:$0xC80] =	vst v63  }
.Ltmp2:
0xf1: {  	s31 =	sadd.s32 $0x1E0, s12;
	s0 =	sadd.s32 $0x880, s0;
	(pc) =	sbr.rel @p0 .LBB2_1-.Ltmp2, $4  }
0xf2: {  	[hbm4b:s31+s3] =	stream.linear.scatter [tilespmem:s0], [sflag:$0x1], $0x100, $0x38;
	[tilespmem:$0xC80] =	vst v63  }
0xf3: {  	_ =	swait.ge [sflag:s10], $0x4000  }
0xf4: {  	[sflag:s10] =	ssyncset.done $0x0  }
0xf5: {  	[sflag:s10] =	ssyncadd.s32 $0xFFFFC000  }
0xf6: {  	_ =	sfence.sel $0x180000  }
0xf7: {  	[bflag:$0x0] =	sbarrier.arrive $0xFFFF  }
0xf8: {  	_ =	strace $0x90000047  }
0xf9: {  	s0 =	stileid.u32;
	[bflag:$0x2] =	sbarrier.arrive $0xFFFF  }
0xfa: {  	p0 =	sne.s32 s0, $0x0;
	s0 =	rddreg [dreg:$0x3]  }
0xfb: {  	s0 =	sadd.s32 @!p0 $0x100000, s0  }
0xfc: {  	[sflag:s0] =	ssyncadd.tile.s32 @!p0 $0x1;
	_ =	shalt  }
.Lfunc_end2:
_tile_overlayer_lowered:
.L_overlay_start_2:
0xfd: {  	(tag) =	ssettag $0x2  }
0xfe: {  	s0 =	rddreg [dreg:$0x0];
	s2 =	stileid.u32  }
0xff: {  	s1 =	rddreg [dreg:$0x1];
	p0 =	sne.s32 s2, $0x0  }
0x100: {  	s3 =	rddreg [dreg:$0x2];
	[bflag:$0x3] =	sbarrier.arrive $0xFFFF;
	s2 =	simm.s32 @!p0 $0x1C02  }
0x101: {  	[timem:s3], [sflag:s2] =	dma.local @!p0 [hbm:s0], s1  }
0x102: {  	s0 =	simm.s32 @!p0 $0x2  }
0x103: {  	_ =	swait.ge @!p0 [sflag:s0], s1  }
0x104: {  	s1 =	ssub.s32 @!p0 $0x0, s1;
	[sflag:s0] =	ssyncset.done @!p0 $0x0  }
0x105: {  	[sflag:s0] =	ssyncadd.s32 @!p0 s1  }
0x106: {  	[bflag:$0x3] =	sbarrier.arrive $0xFFFF  }
0x107: {  	_ =	shalt  }

</sc_bundles>
